<compile_context>
chip_gen: v7x
topology: tpu7x:2x2x1
jax: 0.10.2.dev20260603
libtpu: 0.0.44.dev20260713+nightly
codegen_flags: <defaults>
</compile_context>

<pallas_src>
import functools

import jax
import jax.numpy as jnp
from jax import lax
from jax.experimental import pallas as pl
from jax.experimental.pallas import tpu as pltpu
from jax.experimental.pallas import tpu_sc as plsc

N = 10000
E = 160000
D = 256
DH = D // 2

NC = 2
NS = 16
NW = NC * NS

EPW = E // NW
_HIST_PAD = -(-EPW // 16) * 16

NBLK = 5

@functools.partial(
    pl.kernel,
    out_type=jax.ShapeDtypeStruct((NBLK, NW, N // NBLK), jnp.float32),
    scratch_types=[
        pltpu.VMEM((_HIST_PAD,), jnp.int32),
        pltpu.VMEM((N,), jnp.float32),
    ],
    mesh=plsc.VectorSubcoreMesh(core_axis_name="c", subcore_axis_name="s"),
    compiler_params=pltpu.CompilerParams(
        needs_layout_passes=False, use_tc_tiling_on_sc=False),
)
def _sc_hist(dst_hbm, hist_out, idx_v, hist_v):
    c = lax.axis_index("c")
    s = lax.axis_index("s")
    wid = s * NC + c

    zeros16 = jnp.zeros((16,), jnp.float32)

    def zero_body(i, _):
        hist_v[pl.ds(i * 16, 16)] = zeros16
        return _

    lax.fori_loop(0, N // 16, zero_body, None)

    idx_v[pl.ds(_HIST_PAD - 16, 16)] = jnp.zeros((16,), jnp.int32)
    pltpu.sync_copy(dst_hbm.at[pl.ds(wid * EPW, EPW)], idx_v.at[pl.ds(0, EPW)])

    ones16 = jnp.ones((16,), jnp.float32)
    nfull = EPW // 16

    def hist_body(i, _):
        idx = idx_v[pl.ds(i * 16, 16)]
        plsc.addupdate_scatter(hist_v, [idx], ones16)
        return _

    lax.fori_loop(0, nfull, hist_body, None)

    rem = EPW - nfull * 16
    if rem:
        idx = idx_v[pl.ds(nfull * 16, 16)]
        mask = lax.iota(jnp.int32, 16) < rem
        plsc.addupdate_scatter(hist_v, [idx], ones16, mask=mask)

    rb = N // NBLK

    def wr_body(i, _):
        pltpu.sync_copy(hist_v.at[pl.ds(i * rb, rb)], hist_out.at[i, wid])
        return _

    lax.fori_loop(0, NBLK, wr_body, None)


EPT = E // NS
CH = 125
NCHUNK = EPT // CH
NQUAD = NCHUNK // 4
RPT = N // NS


@functools.partial(
    pl.kernel,
    out_type=jax.ShapeDtypeStruct((NC, N, DH), jnp.bfloat16),
    scratch_types=[
        pltpu.VMEM((NCHUNK, CH), jnp.int32),
        pltpu.VMEM((NCHUNK, CH), jnp.int32),
        pltpu.VMEM((CH, DH), jnp.bfloat16),
        pltpu.VMEM((CH, DH), jnp.bfloat16),
        pltpu.VMEM((CH, DH), jnp.bfloat16),
        pltpu.VMEM((CH, DH), jnp.bfloat16),
        pltpu.VMEM_SHARED((N, DH), jnp.bfloat16),
        pltpu.SemaphoreType.DMA,
        pltpu.SemaphoreType.DMA,
        pltpu.SemaphoreType.DMA,
    ],
    mesh=plsc.VectorSubcoreMesh(core_axis_name="c", subcore_axis_name="s"),
    compiler_params=pltpu.CompilerParams(
        needs_layout_passes=False, use_tc_tiling_on_sc=False),
)
def _sc_edges(gsrc_hbm, dst_hbm, y_hbm, acc_out,
              gidx, didx, rows0, rows1, rows2, rows3,
              acc, semi, semg, sems):
    c = lax.axis_index("c")
    s = lax.axis_index("s")
    bufs = (rows0, rows1, rows2, rows3)

    init_cp = pltpu.async_copy(y_hbm.at[pl.ds(c * N + s * RPT, RPT)],
                               acc.at[pl.ds(s * RPT, RPT)], semi)

    pltpu.sync_copy(gsrc_hbm.at[c * NS + s], gidx)
    pltpu.sync_copy(dst_hbm.at[s], didx)

    def start_gather(i, buf):
        pltpu.async_copy(y_hbm.at[gidx.at[i]], buf, semg)

    def wait_gather(i, buf):
        pltpu.make_async_copy(y_hbm.at[gidx.at[i]], buf, semg).wait()

    def start_scatter(i, buf):
        pltpu.async_copy(buf, acc.at[didx.at[i]], sems, add=True)

    def wait_scatter(i, buf):
        pltpu.make_async_copy(buf, acc.at[didx.at[i]], sems).wait()

    start_gather(0, rows0)
    start_gather(1, rows1)

    init_cp.wait()
    plsc.subcore_barrier()

    def quad_body(q, _):
        for j in range(4):
            i = 4 * q + j
            wait_gather(i, bufs[j])
            start_scatter(i, bufs[j])
            jp = (j + 2) % 4
            if j >= 2:
                wait_scatter(i - 2, bufs[jp])
            else:
                @pl.when(i >= 2)
                def _():
                    wait_scatter(i - 2, bufs[jp])

            @pl.when(i + 2 < NCHUNK)
            def _():
                start_gather(i + 2, bufs[jp])

        return _

    lax.fori_loop(0, NQUAD, quad_body, None)
    wait_scatter(NCHUNK - 2, bufs[2])
    wait_scatter(NCHUNK - 1, bufs[3])
    plsc.subcore_barrier()

    pltpu.sync_copy(acc.at[pl.ds(s * RPT, RPT)],
                    acc_out.at[c, pl.ds(s * RPT, RPT)])


RB = 2000


def _tc_linear_body(x_ref, w_ref, hist_ref, y_ref, dis_ref):
    xw = jnp.dot(x_ref[...], w_ref[...], preferred_element_type=jnp.float32)
    deg = 1.0 + jnp.sum(hist_ref[0], axis=0)
    dis = lax.rsqrt(deg)
    y = (xw * dis[:, None]).astype(jnp.bfloat16)
    y_ref[0] = y[:, :DH]
    y_ref[1] = y[:, DH:]
    dis_ref[...] = dis[:, None]


def _tc_linear(x, W, hist):
    return pl.pallas_call(
        _tc_linear_body,
        grid=(N // RB,),
        in_specs=[
            pl.BlockSpec((RB, D), lambda i: (i, 0)),
            pl.BlockSpec((D, D), lambda i: (0, 0)),
            pl.BlockSpec((1, NW, RB), lambda i: (i, 0, 0)),
        ],
        out_specs=[
            pl.BlockSpec((NC, RB, DH), lambda i: (0, i, 0)),
            pl.BlockSpec((RB, 1), lambda i: (i, 0)),
        ],
        out_shape=[
            jax.ShapeDtypeStruct((NC, N, DH), jnp.bfloat16),
            jax.ShapeDtypeStruct((N, 1), jnp.float32),
        ],
    )(x, W, hist)



def _tc_epilogue_body(acc_ref, dis_ref, b_ref, g_ref, be_ref, x_ref, o_ref):
    h = jnp.concatenate([acc_ref[0], acc_ref[1]], axis=-1).astype(jnp.float32)
    h = h * dis_ref[...] + b_ref[...]
    h = jnp.where(h > 0, h, jnp.exp(h) - 1.0)
    mean = jnp.mean(h, axis=-1, keepdims=True)
    var = jnp.mean((h - mean) ** 2, axis=-1, keepdims=True)
    h = (h - mean) * lax.rsqrt(var + 1e-5) * g_ref[...] + be_ref[...]
    o_ref[...] = h + x_ref[...]


def _tc_epilogue(acc, dis, b, gamma, beta, x):
    return pl.pallas_call(
        _tc_epilogue_body,
        grid=(N // RB,),
        in_specs=[
            pl.BlockSpec((NC, RB, DH), lambda i: (0, i, 0)),
            pl.BlockSpec((RB, 1), lambda i: (i, 0)),
            pl.BlockSpec((1, D), lambda i: (0, 0)),
            pl.BlockSpec((1, D), lambda i: (0, 0)),
            pl.BlockSpec((1, D), lambda i: (0, 0)),
            pl.BlockSpec((RB, D), lambda i: (i, 0)),
        ],
        out_specs=pl.BlockSpec((RB, D), lambda i: (i, 0)),
        out_shape=jax.ShapeDtypeStruct((N, D), jnp.float32),
    )(acc, dis, b, gamma, beta, x)


def kernel(x, edge_index, W, b, gamma, beta):
    src = edge_index[0]
    dst = edge_index[1]
    hist = _sc_hist(dst)
    y2, dis = _tc_linear(x, W, hist)
    yflat = y2.reshape(NC * N, DH)
    gsrc = jnp.concatenate([src, src + N]).reshape(NC * NS, NCHUNK, CH)
    dst3 = dst.reshape(NS, NCHUNK, CH)
    acc = _sc_edges(gsrc, dst3, yflat)
    return _tc_epilogue(acc, dis,
                        b.reshape(1, D), gamma.reshape(1, D),
                        beta.reshape(1, D), x)

# --- scband reference (transcript-rebuilt; emitter-appended) ---
"""Pipeline reference for scband-gnnlayer-21251498180626 (READ-ONLY COPY).

The authoritative reference and input builder live on the scoring server;
editing this copy changes nothing except your own understanding.
"""

import jax, jax.numpy as jnp
import numpy as np

N = 10000
E = 160000
D = 256


def setup_inputs(seed: int = 0) -> dict:
    key = jax.random.key(seed)
    k1, k2, k3 = jax.random.split(key, 3)
    x = jax.random.normal(k1, (N, D), dtype=jnp.float32)
    edge_index = jax.random.randint(k2, (2, E), 0, N, dtype=jnp.int32)
    # GCNConv weight + bias (glorot-ish scale)
    W = jax.random.normal(k3, (D, D), dtype=jnp.float32) * (1.0 / np.sqrt(D))
    b = jnp.zeros((D,), dtype=jnp.float32)
    # LayerNorm params
    gamma = jnp.ones((D,), dtype=jnp.float32)
    beta = jnp.zeros((D,), dtype=jnp.float32)
    return {"x": x, "edge_index": edge_index, "W": W, "b": b, "gamma": gamma, "beta": beta}


def _gcn_conv(x, edge_index, W, b):
    num_nodes = x.shape[0]
    src = edge_index[0]
    dst = edge_index[1]
    # add self-loops (PyG GCNConv default, fill_value=1)
    loop = jnp.arange(num_nodes, dtype=src.dtype)
    src = jnp.concatenate([src, loop])
    dst = jnp.concatenate([dst, loop])
    # symmetric normalization D^{-1/2} A_hat D^{-1/2}
    deg = jnp.zeros((num_nodes,), dtype=x.dtype).at[dst].add(1.0)
    deg_inv_sqrt = jnp.where(deg > 0, 1.0 / jnp.sqrt(deg), 0.0)
    norm = deg_inv_sqrt[src] * deg_inv_sqrt[dst]
    # linear transform then gather / weighted scatter-add
    xw = x @ W
    msg = xw[src] * norm[:, None]
    out = jnp.zeros((num_nodes, W.shape[1]), dtype=x.dtype).at[dst].add(msg)
    return out + b


def _layer_norm(x, gamma, beta, eps=1e-5):
    mean = jnp.mean(x, axis=-1, keepdims=True)
    var = jnp.mean((x - mean) ** 2, axis=-1, keepdims=True)
    return (x - mean) / jnp.sqrt(var + eps) * gamma + beta


def reference(x, edge_index, W, b, gamma, beta):
    identity = x
    h = _gcn_conv(x, edge_index, W, b)
    h = jax.nn.elu(h)
    # dropout is identity in eval mode (training=False)
    h = _layer_norm(h, gamma, beta)
    # residual (in_dim == out_dim, no projection)
    h = h + identity
    return h

if __name__ == "__main__":
    import jax
    _d = setup_inputs()
    print(jax.jit(kernel)(*tuple(_d.values())))

</pallas_src>

<mosaic_0001>
#map = affine_map<(d0, d1) -> (0)>
#map1 = affine_map<(d0, d1) -> (0, 0, 0)>
module attributes {stable_mosaic.version = 14 : i64} {
  func.func @_sc_hist(%arg0: i32, %arg1: i32, %arg2: memref<160000xi32, #tpu.memory_space<hbm>>, %arg3: memref<5x32x2000xf32, #tpu.memory_space<hbm>>, %arg4: memref<5008xi32, #tpu.memory_space<vmem>>, %arg5: memref<10000xf32, #tpu.memory_space<vmem>>) attributes {dimension_semantics = [#tpu.dimension_semantics<core_parallel>, #tpu.dimension_semantics<subcore_parallel>], iteration_bounds = array<i64: 2, 16>, scalar_prefetch = 0 : i64, scratch_operands = 2 : i64, tpu.core_type = #tpu.core_type<sc_vector_subcore>, window_params = [{transform_indices = #map}, {transform_indices = #map1}]} {
    %mul3A = arith.constant 2 : i32
    %mul3A_0 = arith.muli %arg1, %mul3A : i32
    %add3A = arith.addi %mul3A_0, %arg0 : i32
    %broadcast_in_dim3A = arith.constant 0.000000e+00 : f32
    %broadcast_in_dim3A_1 = vector.broadcast %broadcast_in_dim3A : f32 to vector<16xf32>
    %scan3A = arith.constant 0 : i32
    %scan3A_2 = arith.constant 625 : i32
    %scan3A_3 = arith.addi %scan3A, %scan3A_2 : i32
    %scan3A_4 = arith.constant 1 : i32
    scf.for %scan3A_26 = %scan3A to %scan3A_3 step %scan3A_4  : i32 {
      %mul3A_27 = arith.constant 16 : i32
      %mul3A_28 = arith.muli %scan3A_26, %mul3A_27 : i32
      %swap3A_29 = arith.index_cast %mul3A_28 : i32 to index
      %swap3A_30 = tpu.vector_load %arg5[%swap3A_29] {strides = array<i32>} : memref<10000xf32, #tpu.memory_space<vmem>>, vector<16xf32>,
      tpu.vector_store %arg5[%swap3A_29], %broadcast_in_dim3A_1 {strides = array<i32>} : memref<10000xf32, #tpu.memory_space<vmem>>, vector<16xf32>,
    }
    %scan3A_5 = arith.constant 625 : i32
    %broadcast_in_dim3A_6 = arith.constant 0 : i32
    %broadcast_in_dim3A_7 = vector.broadcast %broadcast_in_dim3A_6 : i32 to vector<16xi32>
    %swap3A = arith.constant 4992 : index
    %swap3A_8 = tpu.vector_load %arg4[%swap3A] {strides = array<i32>} : memref<5008xi32, #tpu.memory_space<vmem>>, vector<16xi32>,
    tpu.vector_store %arg4[%swap3A], %broadcast_in_dim3A_7 {strides = array<i32>} : memref<5008xi32, #tpu.memory_space<vmem>>, vector<16xi32>,
    %mul3A_9 = arith.constant 5000 : i32
    %mul3A_10 = arith.muli %add3A, %mul3A_9 : i32
    "tpu.region"() ({
      %run_scoped3A = tpu.sem_alloc : memref<!tpu.dma_semaphore, #tpu.memory_space<semaphore_mem>>
      %dma_start3A = arith.constant 0 : i32
      %dma_start3A_26 = tpu.memref_slice %arg4[%dma_start3A] : memref<5008xi32, #tpu.memory_space<vmem>> -> memref<5000xi32, #tpu.memory_space<vmem>>
      %dma_start3A_27 = tpu.memref_slice %arg2[%mul3A_10] : memref<160000xi32, #tpu.memory_space<hbm>> -> memref<5000xi32, #tpu.memory_space<hbm>>
      %dma_start3A_28 = arith.constant 0 : i32
      %dma_start3A_29 = tpu.memref_slice %arg4[%dma_start3A_28] : memref<5008xi32, #tpu.memory_space<vmem>> -> memref<5000xi32, #tpu.memory_space<vmem>>
      %dma_start3A_30 = tpu.memref_slice %arg2[%mul3A_10] : memref<160000xi32, #tpu.memory_space<hbm>> -> memref<5000xi32, #tpu.memory_space<hbm>>
      tpu.enqueue_dma source(%dma_start3A_30 : memref<5000xi32, #tpu.memory_space<hbm>>) target(%dma_start3A_29 : memref<5000xi32, #tpu.memory_space<vmem>>) target_semaphore(%run_scoped3A : memref<!tpu.dma_semaphore, #tpu.memory_space<semaphore_mem>>)
      %dma_wait3A = arith.constant 0 : i32
      %dma_wait3A_31 = tpu.memref_slice %arg4[%dma_wait3A] : memref<5008xi32, #tpu.memory_space<vmem>> -> memref<5000xi32, #tpu.memory_space<vmem>>
      %dma_wait3A_32 = tpu.memref_slice %arg2[%mul3A_10] : memref<160000xi32, #tpu.memory_space<hbm>> -> memref<5000xi32, #tpu.memory_space<hbm>>
      %dma_wait3A_33 = arith.constant 0 : i32
      %dma_wait3A_34 = tpu.memref_slice %arg4[%dma_wait3A_33] : memref<5008xi32, #tpu.memory_space<vmem>> -> memref<5000xi32, #tpu.memory_space<vmem>>
      %dma_wait3A_35 = tpu.memref_slice %arg2[%mul3A_10] : memref<160000xi32, #tpu.memory_space<hbm>> -> memref<5000xi32, #tpu.memory_space<hbm>>
      tpu.wait_dma2 semaphore(%run_scoped3A : memref<!tpu.dma_semaphore, #tpu.memory_space<semaphore_mem>>) src(%dma_wait3A_35 : memref<5000xi32, #tpu.memory_space<hbm>>) dst(%dma_wait3A_34 : memref<5000xi32, #tpu.memory_space<vmem>>)
      tpu.yield
    }) : () -> ()
    %broadcast_in_dim3A_11 = arith.constant 1.000000e+00 : f32
    %broadcast_in_dim3A_12 = vector.broadcast %broadcast_in_dim3A_11 : f32 to vector<16xf32>
    %scan3A_13 = arith.constant 0 : i32
    %scan3A_14 = arith.constant 312 : i32
    %scan3A_15 = arith.addi %scan3A_13, %scan3A_14 : i32
    %scan3A_16 = arith.constant 1 : i32
    scf.for %scan3A_26 = %scan3A_13 to %scan3A_15 step %scan3A_16  : i32 {
      %mul3A_27 = arith.constant 16 : i32
      %mul3A_28 = arith.muli %scan3A_26, %mul3A_27 : i32
      %get3A_29 = arith.index_cast %mul3A_28 : i32 to index
      %get3A_30 = tpu.vector_load %arg4[%get3A_29] {strides = array<i32>} : memref<5008xi32, #tpu.memory_space<vmem>>, vector<16xi32>,
      tpu.vector_store_idx %arg5[%get3A_30], %broadcast_in_dim3A_12 {add = true} : memref<10000xf32, #tpu.memory_space<vmem>>[vector<16xi32>], vector<16xf32>,
    }
    %scan3A_17 = arith.constant 312 : i32
    %get3A = arith.constant 4992 : index
    %get3A_18 = tpu.vector_load %arg4[%get3A] {strides = array<i32>} : memref<5008xi32, #tpu.memory_space<vmem>>, vector<16xi32>,
    %iota3A = tpu.iota {dimensions = array<i32: 0>} : vector<16xi32>
    %lt3A = arith.constant 8 : i32
    %lt3A_19 = vector.broadcast %lt3A : i32 to vector<16xi32>
    %lt3A_20 = arith.cmpi slt, %iota3A, %lt3A_19 : vector<16xi32>
    tpu.vector_store_idx %arg5[%get3A_18], %broadcast_in_dim3A_12 masked %lt3A_20 {add = true} : memref<10000xf32, #tpu.memory_space<vmem>>[vector<16xi32>], vector<16xf32>, vector<16xi1>
    %scan3A_21 = arith.constant 0 : i32
    %scan3A_22 = arith.constant 5 : i32
    %scan3A_23 = arith.addi %scan3A_21, %scan3A_22 : i32
    %scan3A_24 = arith.constant 1 : i32
    scf.for %scan3A_26 = %scan3A_21 to %scan3A_23 step %scan3A_24  : i32 {
      %mul3A_27 = arith.constant 2000 : i32
      %mul3A_28 = arith.muli %scan3A_26, %mul3A_27 : i32
      "tpu.region"() ({
        %run_scoped3A = tpu.sem_alloc : memref<!tpu.dma_semaphore, #tpu.memory_space<semaphore_mem>>
        %dma_start3A = tpu.memref_slice %arg5[%mul3A_28] : memref<10000xf32, #tpu.memory_space<vmem>> -> memref<2000xf32, #tpu.memory_space<vmem>>
        %dma_start3A_29 = arith.constant 0 : i32
        %dma_start3A_30 = tpu.memref_slice %arg3[%scan3A_26, %add3A, %dma_start3A_29] : memref<5x32x2000xf32, #tpu.memory_space<hbm>> -> memref<1x1x2000xf32, #tpu.memory_space<hbm>>
        %dma_start3A_31 = tpu.memref_squeeze %dma_start3A_30 : memref<1x1x2000xf32, #tpu.memory_space<hbm>> -> memref<2000xf32, #tpu.memory_space<hbm>>
        %dma_start3A_32 = arith.constant 0 : i32
        %dma_start3A_33 = tpu.memref_slice %arg3[%scan3A_26, %add3A, %dma_start3A_32] : memref<5x32x2000xf32, #tpu.memory_space<hbm>> -> memref<1x1x2000xf32, #tpu.memory_space<hbm>>
        %dma_start3A_34 = tpu.memref_squeeze %dma_start3A_33 : memref<1x1x2000xf32, #tpu.memory_space<hbm>> -> memref<2000xf32, #tpu.memory_space<hbm>>
        %dma_start3A_35 = tpu.memref_slice %arg5[%mul3A_28] : memref<10000xf32, #tpu.memory_space<vmem>> -> memref<2000xf32, #tpu.memory_space<vmem>>
        tpu.enqueue_dma source(%dma_start3A_35 : memref<2000xf32, #tpu.memory_space<vmem>>) target(%dma_start3A_34 : memref<2000xf32, #tpu.memory_space<hbm>>) target_semaphore(%run_scoped3A : memref<!tpu.dma_semaphore, #tpu.memory_space<semaphore_mem>>)
        %dma_wait3A = tpu.memref_slice %arg5[%mul3A_28] : memref<10000xf32, #tpu.memory_space<vmem>> -> memref<2000xf32, #tpu.memory_space<vmem>>
        %dma_wait3A_36 = arith.constant 0 : i32
        %dma_wait3A_37 = tpu.memref_slice %arg3[%scan3A_26, %add3A, %dma_wait3A_36] : memref<5x32x2000xf32, #tpu.memory_space<hbm>> -> memref<1x1x2000xf32, #tpu.memory_space<hbm>>
        %dma_wait3A_38 = tpu.memref_squeeze %dma_wait3A_37 : memref<1x1x2000xf32, #tpu.memory_space<hbm>> -> memref<2000xf32, #tpu.memory_space<hbm>>
        %dma_wait3A_39 = arith.constant 0 : i32
        %dma_wait3A_40 = tpu.memref_slice %arg3[%scan3A_26, %add3A, %dma_wait3A_39] : memref<5x32x2000xf32, #tpu.memory_space<hbm>> -> memref<1x1x2000xf32, #tpu.memory_space<hbm>>
        %dma_wait3A_41 = tpu.memref_squeeze %dma_wait3A_40 : memref<1x1x2000xf32, #tpu.memory_space<hbm>> -> memref<2000xf32, #tpu.memory_space<hbm>>
        %dma_wait3A_42 = tpu.memref_slice %arg5[%mul3A_28] : memref<10000xf32, #tpu.memory_space<vmem>> -> memref<2000xf32, #tpu.memory_space<vmem>>
        tpu.wait_dma2 semaphore(%run_scoped3A : memref<!tpu.dma_semaphore, #tpu.memory_space<semaphore_mem>>) src(%dma_wait3A_42 : memref<2000xf32, #tpu.memory_space<vmem>>) dst(%dma_wait3A_41 : memref<2000xf32, #tpu.memory_space<hbm>>)
        tpu.yield
      }) : () -> ()
    }
    %scan3A_25 = arith.constant 5 : i32
    return
  }
}

#map = affine_map<(d0, d1) -> (0, 0, 0)>
#map1 = affine_map<(d0, d1) -> (0, 0)>
module attributes {stable_mosaic.version = 14 : i64} {
  func.func @_sc_edges(%arg0: i32, %arg1: i32, %arg2: memref<32x80x125xi32, #tpu.memory_space<hbm>>, %arg3: memref<16x80x125xi32, #tpu.memory_space<hbm>>, %arg4: memref<20000x128xbf16, #tpu.memory_space<hbm>>, %arg5: memref<2x10000x128xbf16, #tpu.memory_space<hbm>>, %arg6: memref<80x125xi32, #tpu.memory_space<vmem>>, %arg7: memref<80x125xi32, #tpu.memory_space<vmem>>, %arg8: memref<125x128xbf16, #tpu.memory_space<vmem>>, %arg9: memref<125x128xbf16, #tpu.memory_space<vmem>>, %arg10: memref<125x128xbf16, #tpu.memory_space<vmem>>, %arg11: memref<125x128xbf16, #tpu.memory_space<vmem>>, %arg12: memref<10000x128xbf16, #tpu.memory_space<vmem_shared>>, %arg13: memref<!tpu.dma_semaphore, #tpu.memory_space<semaphore_mem>>, %arg14: memref<!tpu.dma_semaphore, #tpu.memory_space<semaphore_mem>>, %arg15: memref<!tpu.dma_semaphore, #tpu.memory_space<semaphore_mem>>) attributes {dimension_semantics = [#tpu.dimension_semantics<core_parallel>, #tpu.dimension_semantics<subcore_parallel>], iteration_bounds = array<i64: 2, 16>, scalar_prefetch = 0 : i64, scratch_operands = 10 : i64, tpu.core_type = #tpu.core_type<sc_vector_subcore>, window_params = [{transform_indices = #map}, {transform_indices = #map}, {transform_indices = #map1}, {transform_indices = #map}]} {
    %mul3A = arith.constant 10000 : i32
    %mul3A_0 = arith.muli %arg0, %mul3A : i32
    %mul3A_1 = arith.constant 625 : i32
    %mul3A_2 = arith.muli %arg1, %mul3A_1 : i32
    %add3A = arith.addi %mul3A_0, %mul3A_2 : i32
    %mul3A_3 = arith.constant 625 : i32
    %mul3A_4 = arith.muli %arg1, %mul3A_3 : i32
    %dma_start3A = arith.constant 0 : i32
    %dma_start3A_5 = tpu.memref_slice %arg12[%mul3A_4, %dma_start3A] : memref<10000x128xbf16, #tpu.memory_space<vmem_shared>> -> memref<625x128xbf16, #tpu.memory_space<vmem_shared>>
    %dma_start3A_6 = arith.constant 0 : i32
    %dma_start3A_7 = tpu.memref_slice %arg4[%add3A, %dma_start3A_6] : memref<20000x128xbf16, #tpu.memory_space<hbm>> -> memref<625x128xbf16, #tpu.memory_space<hbm>>
    tpu.enqueue_dma source(%dma_start3A_7 : memref<625x128xbf16, #tpu.memory_space<hbm>>) target(%dma_start3A_5 : memref<625x128xbf16, #tpu.memory_space<vmem_shared>>) target_semaphore(%arg13 : memref<!tpu.dma_semaphore, #tpu.memory_space<semaphore_mem>>)
    %mul3A_8 = arith.constant 16 : i32
    %mul3A_9 = arith.muli %arg0, %mul3A_8 : i32
    %add3A_10 = arith.addi %mul3A_9, %arg1 : i32
    "tpu.region"() ({
      %run_scoped3A = tpu.sem_alloc : memref<!tpu.dma_semaphore, #tpu.memory_space<semaphore_mem>>
      %dma_start3A_51 = arith.constant 0 : i32
      %dma_start3A_52 = arith.constant 0 : i32
      %dma_start3A_53 = tpu.memref_slice %arg2[%add3A_10, %dma_start3A_51, %dma_start3A_52] : memref<32x80x125xi32, #tpu.memory_space<hbm>> -> memref<1x80x125xi32, #tpu.memory_space<hbm>>
      %dma_start3A_54 = tpu.memref_squeeze %dma_start3A_53 : memref<1x80x125xi32, #tpu.memory_space<hbm>> -> memref<80x125xi32, #tpu.memory_space<hbm>>
      %dma_start3A_55 = arith.constant 0 : i32
      %dma_start3A_56 = arith.constant 0 : i32
      %dma_start3A_57 = tpu.memref_slice %arg2[%add3A_10, %dma_start3A_55, %dma_start3A_56] : memref<32x80x125xi32, #tpu.memory_space<hbm>> -> memref<1x80x125xi32, #tpu.memory_space<hbm>>
      %dma_start3A_58 = tpu.memref_squeeze %dma_start3A_57 : memref<1x80x125xi32, #tpu.memory_space<hbm>> -> memref<80x125xi32, #tpu.memory_space<hbm>>
      tpu.enqueue_dma source(%dma_start3A_58 : memref<80x125xi32, #tpu.memory_space<hbm>>) target(%arg6 : memref<80x125xi32, #tpu.memory_space<vmem>>) target_semaphore(%run_scoped3A : memref<!tpu.dma_semaphore, #tpu.memory_space<semaphore_mem>>)
      %dma_wait3A_59 = arith.constant 0 : i32
      %dma_wait3A_60 = arith.constant 0 : i32
      %dma_wait3A_61 = tpu.memref_slice %arg2[%add3A_10, %dma_wait3A_59, %dma_wait3A_60] : memref<32x80x125xi32, #tpu.memory_space<hbm>> -> memref<1x80x125xi32, #tpu.memory_space<hbm>>
      %dma_wait3A_62 = tpu.memref_squeeze %dma_wait3A_61 : memref<1x80x125xi32, #tpu.memory_space<hbm>> -> memref<80x125xi32, #tpu.memory_space<hbm>>
      %dma_wait3A_63 = arith.constant 0 : i32
      %dma_wait3A_64 = arith.constant 0 : i32
      %dma_wait3A_65 = tpu.memref_slice %arg2[%add3A_10, %dma_wait3A_63, %dma_wait3A_64] : memref<32x80x125xi32, #tpu.memory_space<hbm>> -> memref<1x80x125xi32, #tpu.memory_space<hbm>>
      %dma_wait3A_66 = tpu.memref_squeeze %dma_wait3A_65 : memref<1x80x125xi32, #tpu.memory_space<hbm>> -> memref<80x125xi32, #tpu.memory_space<hbm>>
      tpu.wait_dma2 semaphore(%run_scoped3A : memref<!tpu.dma_semaphore, #tpu.memory_space<semaphore_mem>>) src(%dma_wait3A_66 : memref<80x125xi32, #tpu.memory_space<hbm>>) dst(%arg6 : memref<80x125xi32, #tpu.memory_space<vmem>>)
      tpu.yield
    }) : () -> ()
    "tpu.region"() ({
      %run_scoped3A = tpu.sem_alloc : memref<!tpu.dma_semaphore, #tpu.memory_space<semaphore_mem>>
      %dma_start3A_51 = arith.constant 0 : i32
      %dma_start3A_52 = arith.constant 0 : i32
      %dma_start3A_53 = tpu.memref_slice %arg3[%arg1, %dma_start3A_51, %dma_start3A_52] : memref<16x80x125xi32, #tpu.memory_space<hbm>> -> memref<1x80x125xi32, #tpu.memory_space<hbm>>
      %dma_start3A_54 = tpu.memref_squeeze %dma_start3A_53 : memref<1x80x125xi32, #tpu.memory_space<hbm>> -> memref<80x125xi32, #tpu.memory_space<hbm>>
      %dma_start3A_55 = arith.constant 0 : i32
      %dma_start3A_56 = arith.constant 0 : i32
      %dma_start3A_57 = tpu.memref_slice %arg3[%arg1, %dma_start3A_55, %dma_start3A_56] : memref<16x80x125xi32, #tpu.memory_space<hbm>> -> memref<1x80x125xi32, #tpu.memory_space<hbm>>
      %dma_start3A_58 = tpu.memref_squeeze %dma_start3A_57 : memref<1x80x125xi32, #tpu.memory_space<hbm>> -> memref<80x125xi32, #tpu.memory_space<hbm>>
      tpu.enqueue_dma source(%dma_start3A_58 : memref<80x125xi32, #tpu.memory_space<hbm>>) target(%arg7 : memref<80x125xi32, #tpu.memory_space<vmem>>) target_semaphore(%run_scoped3A : memref<!tpu.dma_semaphore, #tpu.memory_space<semaphore_mem>>)
      %dma_wait3A_59 = arith.constant 0 : i32
      %dma_wait3A_60 = arith.constant 0 : i32
      %dma_wait3A_61 = tpu.memref_slice %arg3[%arg1, %dma_wait3A_59, %dma_wait3A_60] : memref<16x80x125xi32, #tpu.memory_space<hbm>> -> memref<1x80x125xi32, #tpu.memory_space<hbm>>
      %dma_wait3A_62 = tpu.memref_squeeze %dma_wait3A_61 : memref<1x80x125xi32, #tpu.memory_space<hbm>> -> memref<80x125xi32, #tpu.memory_space<hbm>>
      %dma_wait3A_63 = arith.constant 0 : i32
      %dma_wait3A_64 = arith.constant 0 : i32
      %dma_wait3A_65 = tpu.memref_slice %arg3[%arg1, %dma_wait3A_63, %dma_wait3A_64] : memref<16x80x125xi32, #tpu.memory_space<hbm>> -> memref<1x80x125xi32, #tpu.memory_space<hbm>>
      %dma_wait3A_66 = tpu.memref_squeeze %dma_wait3A_65 : memref<1x80x125xi32, #tpu.memory_space<hbm>> -> memref<80x125xi32, #tpu.memory_space<hbm>>
      tpu.wait_dma2 semaphore(%run_scoped3A : memref<!tpu.dma_semaphore, #tpu.memory_space<semaphore_mem>>) src(%dma_wait3A_66 : memref<80x125xi32, #tpu.memory_space<hbm>>) dst(%arg7 : memref<80x125xi32, #tpu.memory_space<vmem>>)
      tpu.yield
    }) : () -> ()
    %dma_start3A_11 = arith.constant 0 : i32
    %dma_start3A_12 = arith.constant 0 : i32
    %dma_start3A_13 = tpu.memref_slice %arg6[%dma_start3A_11, %dma_start3A_12] : memref<80x125xi32, #tpu.memory_space<vmem>> -> memref<1x125xi32, #tpu.memory_space<vmem>>
    %dma_start3A_14 = tpu.memref_squeeze %dma_start3A_13 : memref<1x125xi32, #tpu.memory_space<vmem>> -> memref<125xi32, #tpu.memory_space<vmem>>
    %dma_start3A_15 = arith.constant 0 : i32
    %dma_start3A_16 = arith.constant 0 : i32
    %dma_start3A_17 = tpu.memref_slice %arg4[%dma_start3A_15, %dma_start3A_16] : memref<20000x128xbf16, #tpu.memory_space<hbm>> -> memref<20000x128xbf16, #tpu.memory_space<hbm>>
    tpu.enqueue_indirect_dma source(%dma_start3A_17 : memref<20000x128xbf16, #tpu.memory_space<hbm>>) target(%arg8 : memref<125x128xbf16, #tpu.memory_space<vmem>>) offsets(%dma_start3A_14 : memref<125xi32, #tpu.memory_space<vmem>>) semaphore(%arg14 : memref<!tpu.dma_semaphore, #tpu.memory_space<semaphore_mem>>)
    %dma_start3A_18 = arith.constant 1 : i32
    %dma_start3A_19 = arith.constant 0 : i32
    %dma_start3A_20 = tpu.memref_slice %arg6[%dma_start3A_18, %dma_start3A_19] : memref<80x125xi32, #tpu.memory_space<vmem>> -> memref<1x125xi32, #tpu.memory_space<vmem>>
    %dma_start3A_21 = tpu.memref_squeeze %dma_start3A_20 : memref<1x125xi32, #tpu.memory_space<vmem>> -> memref<125xi32, #tpu.memory_space<vmem>>
    %dma_start3A_22 = arith.constant 0 : i32
    %dma_start3A_23 = arith.constant 0 : i32
    %dma_start3A_24 = tpu.memref_slice %arg4[%dma_start3A_22, %dma_start3A_23] : memref<20000x128xbf16, #tpu.memory_space<hbm>> -> memref<20000x128xbf16, #tpu.memory_space<hbm>>
    tpu.enqueue_indirect_dma source(%dma_start3A_24 : memref<20000x128xbf16, #tpu.memory_space<hbm>>) target(%arg9 : memref<125x128xbf16, #tpu.memory_space<vmem>>) offsets(%dma_start3A_21 : memref<125xi32, #tpu.memory_space<vmem>>) semaphore(%arg14 : memref<!tpu.dma_semaphore, #tpu.memory_space<semaphore_mem>>)
    %dma_wait3A = arith.constant 0 : i32
    %dma_wait3A_25 = tpu.memref_slice %arg12[%mul3A_4, %dma_wait3A] : memref<10000x128xbf16, #tpu.memory_space<vmem_shared>> -> memref<625x128xbf16, #tpu.memory_space<vmem_shared>>
    %dma_wait3A_26 = arith.constant 0 : i32
    %dma_wait3A_27 = tpu.memref_slice %arg4[%add3A, %dma_wait3A_26] : memref<20000x128xbf16, #tpu.memory_space<hbm>> -> memref<625x128xbf16, #tpu.memory_space<hbm>>
    tpu.wait_dma2 semaphore(%arg13 : memref<!tpu.dma_semaphore, #tpu.memory_space<semaphore_mem>>) src(%dma_wait3A_27 : memref<625x128xbf16, #tpu.memory_space<hbm>>) dst(%dma_wait3A_25 : memref<625x128xbf16, #tpu.memory_space<vmem_shared>>)
    %barrier3A = arith.constant 0 : index
    tpu.barrier barrier_id(%barrier3A)
    %scan3A = arith.constant 0 : i32
    %scan3A_28 = arith.constant 20 : i32
    %scan3A_29 = arith.addi %scan3A, %scan3A_28 : i32
    %scan3A_30 = arith.constant 1 : i32
    scf.for %scan3A_51 = %scan3A to %scan3A_29 step %scan3A_30  : i32 {
      %mul3A_52 = arith.constant 4 : i32
      %mul3A_53 = arith.muli %mul3A_52, %scan3A_51 : i32
      %add3A_54 = arith.constant 0 : i32
      %add3A_55 = arith.addi %mul3A_53, %add3A_54 : i32
      %dma_wait3A_56 = arith.constant 0 : i32
      %dma_wait3A_57 = tpu.memref_slice %arg6[%add3A_55, %dma_wait3A_56] : memref<80x125xi32, #tpu.memory_space<vmem>> -> memref<1x125xi32, #tpu.memory_space<vmem>>
      %dma_wait3A_58 = tpu.memref_squeeze %dma_wait3A_57 : memref<1x125xi32, #tpu.memory_space<vmem>> -> memref<125xi32, #tpu.memory_space<vmem>>
      %dma_wait3A_59 = arith.constant 0 : i32
      %dma_wait3A_60 = arith.constant 0 : i32
      %dma_wait3A_61 = tpu.memref_slice %arg4[%dma_wait3A_59, %dma_wait3A_60] : memref<20000x128xbf16, #tpu.memory_space<hbm>> -> memref<20000x128xbf16, #tpu.memory_space<hbm>>
      tpu.wait_indirect_dma semaphore(%arg14 : memref<!tpu.dma_semaphore, #tpu.memory_space<semaphore_mem>>) src(%dma_wait3A_61 : memref<20000x128xbf16, #tpu.memory_space<hbm>>) dst(%arg8 : memref<125x128xbf16, #tpu.memory_space<vmem>>)
      %dma_start3A_62 = arith.constant 0 : i32
      %dma_start3A_63 = tpu.memref_slice %arg7[%add3A_55, %dma_start3A_62] : memref<80x125xi32, #tpu.memory_space<vmem>> -> memref<1x125xi32, #tpu.memory_space<vmem>>
      %dma_start3A_64 = tpu.memref_squeeze %dma_start3A_63 : memref<1x125xi32, #tpu.memory_space<vmem>> -> memref<125xi32, #tpu.memory_space<vmem>>
      %dma_start3A_65 = arith.constant 0 : i32
      %dma_start3A_66 = arith.constant 0 : i32
      %dma_start3A_67 = tpu.memref_slice %arg12[%dma_start3A_65, %dma_start3A_66] : memref<10000x128xbf16, #tpu.memory_space<vmem_shared>> -> memref<10000x128xbf16, #tpu.memory_space<vmem_shared>>
      tpu.enqueue_indirect_dma source(%arg8 : memref<125x128xbf16, #tpu.memory_space<vmem>>) target(%dma_start3A_67 : memref<10000x128xbf16, #tpu.memory_space<vmem_shared>>) offsets(%dma_start3A_64 : memref<125xi32, #tpu.memory_space<vmem>>) semaphore(%arg15 : memref<!tpu.dma_semaphore, #tpu.memory_space<semaphore_mem>>) {add = true}
      %ge3A = arith.constant 2 : i32
      %ge3A_68 = arith.cmpi sge, %add3A_55, %ge3A : i32
      %convert_element_type3A = arith.extui %ge3A_68 : i1 to i32
      %cond3A = arith.constant 0 : i32
      %cond3A_69 = arith.cmpi ne, %convert_element_type3A, %cond3A : i32
      scf.if %cond3A_69 {
        %sub3A_165 = arith.constant 2 : i32
        %sub3A_166 = arith.subi %add3A_55, %sub3A_165 : i32
        %dma_wait3A_167 = arith.constant 0 : i32
        %dma_wait3A_168 = tpu.memref_slice %arg7[%sub3A_166, %dma_wait3A_167] : memref<80x125xi32, #tpu.memory_space<vmem>> -> memref<1x125xi32, #tpu.memory_space<vmem>>
        %dma_wait3A_169 = tpu.memref_squeeze %dma_wait3A_168 : memref<1x125xi32, #tpu.memory_space<vmem>> -> memref<125xi32, #tpu.memory_space<vmem>>
        %dma_wait3A_170 = arith.constant 0 : i32
        %dma_wait3A_171 = arith.constant 0 : i32
        %dma_wait3A_172 = tpu.memref_slice %arg12[%dma_wait3A_170, %dma_wait3A_171] : memref<10000x128xbf16, #tpu.memory_space<vmem_shared>> -> memref<10000x128xbf16, #tpu.memory_space<vmem_shared>>
        tpu.wait_indirect_dma semaphore(%arg15 : memref<!tpu.dma_semaphore, #tpu.memory_space<semaphore_mem>>) src(%arg10 : memref<125x128xbf16, #tpu.memory_space<vmem>>) dst(%dma_wait3A_172 : memref<10000x128xbf16, #tpu.memory_space<vmem_shared>>)
      } else {
      }
      %add3A_70 = arith.constant 2 : i32
      %add3A_71 = arith.addi %add3A_55, %add3A_70 : i32
      %lt3A = arith.constant 80 : i32
      %lt3A_72 = arith.cmpi slt, %add3A_71, %lt3A : i32
      %convert_element_type3A_73 = arith.extui %lt3A_72 : i1 to i32
      %cond3A_74 = arith.constant 0 : i32
      %cond3A_75 = arith.cmpi ne, %convert_element_type3A_73, %cond3A_74 : i32
      scf.if %cond3A_75 {
        %add3A_165 = arith.constant 2 : i32
        %add3A_166 = arith.addi %add3A_55, %add3A_165 : i32
        %dma_start3A_167 = arith.constant 0 : i32
        %dma_start3A_168 = tpu.memref_slice %arg6[%add3A_166, %dma_start3A_167] : memref<80x125xi32, #tpu.memory_space<vmem>> -> memref<1x125xi32, #tpu.memory_space<vmem>>
        %dma_start3A_169 = tpu.memref_squeeze %dma_start3A_168 : memref<1x125xi32, #tpu.memory_space<vmem>> -> memref<125xi32, #tpu.memory_space<vmem>>
        %dma_start3A_170 = arith.constant 0 : i32
        %dma_start3A_171 = arith.constant 0 : i32
        %dma_start3A_172 = tpu.memref_slice %arg4[%dma_start3A_170, %dma_start3A_171] : memref<20000x128xbf16, #tpu.memory_space<hbm>> -> memref<20000x128xbf16, #tpu.memory_space<hbm>>
        tpu.enqueue_indirect_dma source(%dma_start3A_172 : memref<20000x128xbf16, #tpu.memory_space<hbm>>) target(%arg10 : memref<125x128xbf16, #tpu.memory_space<vmem>>) offsets(%dma_start3A_169 : memref<125xi32, #tpu.memory_space<vmem>>) semaphore(%arg14 : memref<!tpu.dma_semaphore, #tpu.memory_space<semaphore_mem>>)
      } else {
      }
      %mul3A_76 = arith.constant 4 : i32
      %mul3A_77 = arith.muli %mul3A_76, %scan3A_51 : i32
      %add3A_78 = arith.constant 1 : i32
      %add3A_79 = arith.addi %mul3A_77, %add3A_78 : i32
      %dma_wait3A_80 = arith.constant 0 : i32
      %dma_wait3A_81 = tpu.memref_slice %arg6[%add3A_79, %dma_wait3A_80] : memref<80x125xi32, #tpu.memory_space<vmem>> -> memref<1x125xi32, #tpu.memory_space<vmem>>
      %dma_wait3A_82 = tpu.memref_squeeze %dma_wait3A_81 : memref<1x125xi32, #tpu.memory_space<vmem>> -> memref<125xi32, #tpu.memory_space<vmem>>
      %dma_wait3A_83 = arith.constant 0 : i32
      %dma_wait3A_84 = arith.constant 0 : i32
      %dma_wait3A_85 = tpu.memref_slice %arg4[%dma_wait3A_83, %dma_wait3A_84] : memref<20000x128xbf16, #tpu.memory_space<hbm>> -> memref<20000x128xbf16, #tpu.memory_space<hbm>>
      tpu.wait_indirect_dma semaphore(%arg14 : memref<!tpu.dma_semaphore, #tpu.memory_space<semaphore_mem>>) src(%dma_wait3A_85 : memref<20000x128xbf16, #tpu.memory_space<hbm>>) dst(%arg9 : memref<125x128xbf16, #tpu.memory_space<vmem>>)
      %dma_start3A_86 = arith.constant 0 : i32
      %dma_start3A_87 = tpu.memref_slice %arg7[%add3A_79, %dma_start3A_86] : memref<80x125xi32, #tpu.memory_space<vmem>> -> memref<1x125xi32, #tpu.memory_space<vmem>>
      %dma_start3A_88 = tpu.memref_squeeze %dma_start3A_87 : memref<1x125xi32, #tpu.memory_space<vmem>> -> memref<125xi32, #tpu.memory_space<vmem>>
      %dma_start3A_89 = arith.constant 0 : i32
      %dma_start3A_90 = arith.constant 0 : i32
      %dma_start3A_91 = tpu.memref_slice %arg12[%dma_start3A_89, %dma_start3A_90] : memref<10000x128xbf16, #tpu.memory_space<vmem_shared>> -> memref<10000x128xbf16, #tpu.memory_space<vmem_shared>>
      tpu.enqueue_indirect_dma source(%arg9 : memref<125x128xbf16, #tpu.memory_space<vmem>>) target(%dma_start3A_91 : memref<10000x128xbf16, #tpu.memory_space<vmem_shared>>) offsets(%dma_start3A_88 : memref<125xi32, #tpu.memory_space<vmem>>) semaphore(%arg15 : memref<!tpu.dma_semaphore, #tpu.memory_space<semaphore_mem>>) {add = true}
      %ge3A_92 = arith.constant 2 : i32
      %ge3A_93 = arith.cmpi sge, %add3A_79, %ge3A_92 : i32
      %convert_element_type3A_94 = arith.extui %ge3A_93 : i1 to i32
      %cond3A_95 = arith.constant 0 : i32
      %cond3A_96 = arith.cmpi ne, %convert_element_type3A_94, %cond3A_95 : i32
      scf.if %cond3A_96 {
        %sub3A_165 = arith.constant 2 : i32
        %sub3A_166 = arith.subi %add3A_79, %sub3A_165 : i32
        %dma_wait3A_167 = arith.constant 0 : i32
        %dma_wait3A_168 = tpu.memref_slice %arg7[%sub3A_166, %dma_wait3A_167] : memref<80x125xi32, #tpu.memory_space<vmem>> -> memref<1x125xi32, #tpu.memory_space<vmem>>
        %dma_wait3A_169 = tpu.memref_squeeze %dma_wait3A_168 : memref<1x125xi32, #tpu.memory_space<vmem>> -> memref<125xi32, #tpu.memory_space<vmem>>
        %dma_wait3A_170 = arith.constant 0 : i32
        %dma_wait3A_171 = arith.constant 0 : i32
        %dma_wait3A_172 = tpu.memref_slice %arg12[%dma_wait3A_170, %dma_wait3A_171] : memref<10000x128xbf16, #tpu.memory_space<vmem_shared>> -> memref<10000x128xbf16, #tpu.memory_space<vmem_shared>>
        tpu.wait_indirect_dma semaphore(%arg15 : memref<!tpu.dma_semaphore, #tpu.memory_space<semaphore_mem>>) src(%arg11 : memref<125x128xbf16, #tpu.memory_space<vmem>>) dst(%dma_wait3A_172 : memref<10000x128xbf16, #tpu.memory_space<vmem_shared>>)
      } else {
      }
      %add3A_97 = arith.constant 2 : i32
      %add3A_98 = arith.addi %add3A_79, %add3A_97 : i32
      %lt3A_99 = arith.constant 80 : i32
      %lt3A_100 = arith.cmpi slt, %add3A_98, %lt3A_99 : i32
      %convert_element_type3A_101 = arith.extui %lt3A_100 : i1 to i32
      %cond3A_102 = arith.constant 0 : i32
      %cond3A_103 = arith.cmpi ne, %convert_element_type3A_101, %cond3A_102 : i32
      scf.if %cond3A_103 {
        %add3A_165 = arith.constant 2 : i32
        %add3A_166 = arith.addi %add3A_79, %add3A_165 : i32
        %dma_start3A_167 = arith.constant 0 : i32
        %dma_start3A_168 = tpu.memref_slice %arg6[%add3A_166, %dma_start3A_167] : memref<80x125xi32, #tpu.memory_space<vmem>> -> memref<1x125xi32, #tpu.memory_space<vmem>>
        %dma_start3A_169 = tpu.memref_squeeze %dma_start3A_168 : memref<1x125xi32, #tpu.memory_space<vmem>> -> memref<125xi32, #tpu.memory_space<vmem>>
        %dma_start3A_170 = arith.constant 0 : i32
        %dma_start3A_171 = arith.constant 0 : i32
        %dma_start3A_172 = tpu.memref_slice %arg4[%dma_start3A_170, %dma_start3A_171] : memref<20000x128xbf16, #tpu.memory_space<hbm>> -> memref<20000x128xbf16, #tpu.memory_space<hbm>>
        tpu.enqueue_indirect_dma source(%dma_start3A_172 : memref<20000x128xbf16, #tpu.memory_space<hbm>>) target(%arg11 : memref<125x128xbf16, #tpu.memory_space<vmem>>) offsets(%dma_start3A_169 : memref<125xi32, #tpu.memory_space<vmem>>) semaphore(%arg14 : memref<!tpu.dma_semaphore, #tpu.memory_space<semaphore_mem>>)
      } else {
      }
      %mul3A_104 = arith.constant 4 : i32
      %mul3A_105 = arith.muli %mul3A_104, %scan3A_51 : i32
      %add3A_106 = arith.constant 2 : i32
      %add3A_107 = arith.addi %mul3A_105, %add3A_106 : i32
      %dma_wait3A_108 = arith.constant 0 : i32
      %dma_wait3A_109 = tpu.memref_slice %arg6[%add3A_107, %dma_wait3A_108] : memref<80x125xi32, #tpu.memory_space<vmem>> -> memref<1x125xi32, #tpu.memory_space<vmem>>
      %dma_wait3A_110 = tpu.memref_squeeze %dma_wait3A_109 : memref<1x125xi32, #tpu.memory_space<vmem>> -> memref<125xi32, #tpu.memory_space<vmem>>
      %dma_wait3A_111 = arith.constant 0 : i32
      %dma_wait3A_112 = arith.constant 0 : i32
      %dma_wait3A_113 = tpu.memref_slice %arg4[%dma_wait3A_111, %dma_wait3A_112] : memref<20000x128xbf16, #tpu.memory_space<hbm>> -> memref<20000x128xbf16, #tpu.memory_space<hbm>>
      tpu.wait_indirect_dma semaphore(%arg14 : memref<!tpu.dma_semaphore, #tpu.memory_space<semaphore_mem>>) src(%dma_wait3A_113 : memref<20000x128xbf16, #tpu.memory_space<hbm>>) dst(%arg10 : memref<125x128xbf16, #tpu.memory_space<vmem>>)
      %dma_start3A_114 = arith.constant 0 : i32
      %dma_start3A_115 = tpu.memref_slice %arg7[%add3A_107, %dma_start3A_114] : memref<80x125xi32, #tpu.memory_space<vmem>> -> memref<1x125xi32, #tpu.memory_space<vmem>>
      %dma_start3A_116 = tpu.memref_squeeze %dma_start3A_115 : memref<1x125xi32, #tpu.memory_space<vmem>> -> memref<125xi32, #tpu.memory_space<vmem>>
      %dma_start3A_117 = arith.constant 0 : i32
      %dma_start3A_118 = arith.constant 0 : i32
      %dma_start3A_119 = tpu.memref_slice %arg12[%dma_start3A_117, %dma_start3A_118] : memref<10000x128xbf16, #tpu.memory_space<vmem_shared>> -> memref<10000x128xbf16, #tpu.memory_space<vmem_shared>>
      tpu.enqueue_indirect_dma source(%arg10 : memref<125x128xbf16, #tpu.memory_space<vmem>>) target(%dma_start3A_119 : memref<10000x128xbf16, #tpu.memory_space<vmem_shared>>) offsets(%dma_start3A_116 : memref<125xi32, #tpu.memory_space<vmem>>) semaphore(%arg15 : memref<!tpu.dma_semaphore, #tpu.memory_space<semaphore_mem>>) {add = true}
      %sub3A = arith.constant 2 : i32
      %sub3A_120 = arith.subi %add3A_107, %sub3A : i32
      %dma_wait3A_121 = arith.constant 0 : i32
      %dma_wait3A_122 = tpu.memref_slice %arg7[%sub3A_120, %dma_wait3A_121] : memref<80x125xi32, #tpu.memory_space<vmem>> -> memref<1x125xi32, #tpu.memory_space<vmem>>
      %dma_wait3A_123 = tpu.memref_squeeze %dma_wait3A_122 : memref<1x125xi32, #tpu.memory_space<vmem>> -> memref<125xi32, #tpu.memory_space<vmem>>
      %dma_wait3A_124 = arith.constant 0 : i32
      %dma_wait3A_125 = arith.constant 0 : i32
      %dma_wait3A_126 = tpu.memref_slice %arg12[%dma_wait3A_124, %dma_wait3A_125] : memref<10000x128xbf16, #tpu.memory_space<vmem_shared>> -> memref<10000x128xbf16, #tpu.memory_space<vmem_shared>>
      tpu.wait_indirect_dma semaphore(%arg15 : memref<!tpu.dma_semaphore, #tpu.memory_space<semaphore_mem>>) src(%arg8 : memref<125x128xbf16, #tpu.memory_space<vmem>>) dst(%dma_wait3A_126 : memref<10000x128xbf16, #tpu.memory_space<vmem_shared>>)
      %add3A_127 = arith.constant 2 : i32
      %add3A_128 = arith.addi %add3A_107, %add3A_127 : i32
      %lt3A_129 = arith.constant 80 : i32
      %lt3A_130 = arith.cmpi slt, %add3A_128, %lt3A_129 : i32
      %convert_element_type3A_131 = arith.extui %lt3A_130 : i1 to i32
      %cond3A_132 = arith.constant 0 : i32
      %cond3A_133 = arith.cmpi ne, %convert_element_type3A_131, %cond3A_132 : i32
      scf.if %cond3A_133 {
        %add3A_165 = arith.constant 2 : i32
        %add3A_166 = arith.addi %add3A_107, %add3A_165 : i32
        %dma_start3A_167 = arith.constant 0 : i32
        %dma_start3A_168 = tpu.memref_slice %arg6[%add3A_166, %dma_start3A_167] : memref<80x125xi32, #tpu.memory_space<vmem>> -> memref<1x125xi32, #tpu.memory_space<vmem>>
        %dma_start3A_169 = tpu.memref_squeeze %dma_start3A_168 : memref<1x125xi32, #tpu.memory_space<vmem>> -> memref<125xi32, #tpu.memory_space<vmem>>
        %dma_start3A_170 = arith.constant 0 : i32
        %dma_start3A_171 = arith.constant 0 : i32
        %dma_start3A_172 = tpu.memref_slice %arg4[%dma_start3A_170, %dma_start3A_171] : memref<20000x128xbf16, #tpu.memory_space<hbm>> -> memref<20000x128xbf16, #tpu.memory_space<hbm>>
        tpu.enqueue_indirect_dma source(%dma_start3A_172 : memref<20000x128xbf16, #tpu.memory_space<hbm>>) target(%arg8 : memref<125x128xbf16, #tpu.memory_space<vmem>>) offsets(%dma_start3A_169 : memref<125xi32, #tpu.memory_space<vmem>>) semaphore(%arg14 : memref<!tpu.dma_semaphore, #tpu.memory_space<semaphore_mem>>)
      } else {
      }
      %mul3A_134 = arith.constant 4 : i32
      %mul3A_135 = arith.muli %mul3A_134, %scan3A_51 : i32
      %add3A_136 = arith.constant 3 : i32
      %add3A_137 = arith.addi %mul3A_135, %add3A_136 : i32
      %dma_wait3A_138 = arith.constant 0 : i32
      %dma_wait3A_139 = tpu.memref_slice %arg6[%add3A_137, %dma_wait3A_138] : memref<80x125xi32, #tpu.memory_space<vmem>> -> memref<1x125xi32, #tpu.memory_space<vmem>>
      %dma_wait3A_140 = tpu.memref_squeeze %dma_wait3A_139 : memref<1x125xi32, #tpu.memory_space<vmem>> -> memref<125xi32, #tpu.memory_space<vmem>>
      %dma_wait3A_141 = arith.constant 0 : i32
      %dma_wait3A_142 = arith.constant 0 : i32
      %dma_wait3A_143 = tpu.memref_slice %arg4[%dma_wait3A_141, %dma_wait3A_142] : memref<20000x128xbf16, #tpu.memory_space<hbm>> -> memref<20000x128xbf16, #tpu.memory_space<hbm>>
      tpu.wait_indirect_dma semaphore(%arg14 : memref<!tpu.dma_semaphore, #tpu.memory_space<semaphore_mem>>) src(%dma_wait3A_143 : memref<20000x128xbf16, #tpu.memory_space<hbm>>) dst(%arg11 : memref<125x128xbf16, #tpu.memory_space<vmem>>)
      %dma_start3A_144 = arith.constant 0 : i32
      %dma_start3A_145 = tpu.memref_slice %arg7[%add3A_137, %dma_start3A_144] : memref<80x125xi32, #tpu.memory_space<vmem>> -> memref<1x125xi32, #tpu.memory_space<vmem>>
      %dma_start3A_146 = tpu.memref_squeeze %dma_start3A_145 : memref<1x125xi32, #tpu.memory_space<vmem>> -> memref<125xi32, #tpu.memory_space<vmem>>
      %dma_start3A_147 = arith.constant 0 : i32
      %dma_start3A_148 = arith.constant 0 : i32
      %dma_start3A_149 = tpu.memref_slice %arg12[%dma_start3A_147, %dma_start3A_148] : memref<10000x128xbf16, #tpu.memory_space<vmem_shared>> -> memref<10000x128xbf16, #tpu.memory_space<vmem_shared>>
      tpu.enqueue_indirect_dma source(%arg11 : memref<125x128xbf16, #tpu.memory_space<vmem>>) target(%dma_start3A_149 : memref<10000x128xbf16, #tpu.memory_space<vmem_shared>>) offsets(%dma_start3A_146 : memref<125xi32, #tpu.memory_space<vmem>>) semaphore(%arg15 : memref<!tpu.dma_semaphore, #tpu.memory_space<semaphore_mem>>) {add = true}
      %sub3A_150 = arith.constant 2 : i32
      %sub3A_151 = arith.subi %add3A_137, %sub3A_150 : i32
      %dma_wait3A_152 = arith.constant 0 : i32
      %dma_wait3A_153 = tpu.memref_slice %arg7[%sub3A_151, %dma_wait3A_152] : memref<80x125xi32, #tpu.memory_space<vmem>> -> memref<1x125xi32, #tpu.memory_space<vmem>>
      %dma_wait3A_154 = tpu.memref_squeeze %dma_wait3A_153 : memref<1x125xi32, #tpu.memory_space<vmem>> -> memref<125xi32, #tpu.memory_space<vmem>>
      %dma_wait3A_155 = arith.constant 0 : i32
      %dma_wait3A_156 = arith.constant 0 : i32
      %dma_wait3A_157 = tpu.memref_slice %arg12[%dma_wait3A_155, %dma_wait3A_156] : memref<10000x128xbf16, #tpu.memory_space<vmem_shared>> -> memref<10000x128xbf16, #tpu.memory_space<vmem_shared>>
      tpu.wait_indirect_dma semaphore(%arg15 : memref<!tpu.dma_semaphore, #tpu.memory_space<semaphore_mem>>) src(%arg9 : memref<125x128xbf16, #tpu.memory_space<vmem>>) dst(%dma_wait3A_157 : memref<10000x128xbf16, #tpu.memory_space<vmem_shared>>)
      %add3A_158 = arith.constant 2 : i32
      %add3A_159 = arith.addi %add3A_137, %add3A_158 : i32
      %lt3A_160 = arith.constant 80 : i32
      %lt3A_161 = arith.cmpi slt, %add3A_159, %lt3A_160 : i32
      %convert_element_type3A_162 = arith.extui %lt3A_161 : i1 to i32
      %cond3A_163 = arith.constant 0 : i32
      %cond3A_164 = arith.cmpi ne, %convert_element_type3A_162, %cond3A_163 : i32
      scf.if %cond3A_164 {
        %add3A_165 = arith.constant 2 : i32
        %add3A_166 = arith.addi %add3A_137, %add3A_165 : i32
        %dma_start3A_167 = arith.constant 0 : i32
        %dma_start3A_168 = tpu.memref_slice %arg6[%add3A_166, %dma_start3A_167] : memref<80x125xi32, #tpu.memory_space<vmem>> -> memref<1x125xi32, #tpu.memory_space<vmem>>
        %dma_start3A_169 = tpu.memref_squeeze %dma_start3A_168 : memref<1x125xi32, #tpu.memory_space<vmem>> -> memref<125xi32, #tpu.memory_space<vmem>>
        %dma_start3A_170 = arith.constant 0 : i32
        %dma_start3A_171 = arith.constant 0 : i32
        %dma_start3A_172 = tpu.memref_slice %arg4[%dma_start3A_170, %dma_start3A_171] : memref<20000x128xbf16, #tpu.memory_space<hbm>> -> memref<20000x128xbf16, #tpu.memory_space<hbm>>
        tpu.enqueue_indirect_dma source(%dma_start3A_172 : memref<20000x128xbf16, #tpu.memory_space<hbm>>) target(%arg9 : memref<125x128xbf16, #tpu.memory_space<vmem>>) offsets(%dma_start3A_169 : memref<125xi32, #tpu.memory_space<vmem>>) semaphore(%arg14 : memref<!tpu.dma_semaphore, #tpu.memory_space<semaphore_mem>>)
      } else {
      }
    }
    %scan3A_31 = arith.constant 20 : i32
    %dma_wait3A_32 = arith.constant 78 : i32
    %dma_wait3A_33 = arith.constant 0 : i32
    %dma_wait3A_34 = tpu.memref_slice %arg7[%dma_wait3A_32, %dma_wait3A_33] : memref<80x125xi32, #tpu.memory_space<vmem>> -> memref<1x125xi32, #tpu.memory_space<vmem>>
    %dma_wait3A_35 = tpu.memref_squeeze %dma_wait3A_34 : memref<1x125xi32, #tpu.memory_space<vmem>> -> memref<125xi32, #tpu.memory_space<vmem>>
    %dma_wait3A_36 = arith.constant 0 : i32
    %dma_wait3A_37 = arith.constant 0 : i32
    %dma_wait3A_38 = tpu.memref_slice %arg12[%dma_wait3A_36, %dma_wait3A_37] : memref<10000x128xbf16, #tpu.memory_space<vmem_shared>> -> memref<10000x128xbf16, #tpu.memory_space<vmem_shared>>
    tpu.wait_indirect_dma semaphore(%arg15 : memref<!tpu.dma_semaphore, #tpu.memory_space<semaphore_mem>>) src(%arg10 : memref<125x128xbf16, #tpu.memory_space<vmem>>) dst(%dma_wait3A_38 : memref<10000x128xbf16, #tpu.memory_space<vmem_shared>>)
    %dma_wait3A_39 = arith.constant 79 : i32
    %dma_wait3A_40 = arith.constant 0 : i32
    %dma_wait3A_41 = tpu.memref_slice %arg7[%dma_wait3A_39, %dma_wait3A_40] : memref<80x125xi32, #tpu.memory_space<vmem>> -> memref<1x125xi32, #tpu.memory_space<vmem>>
    %dma_wait3A_42 = tpu.memref_squeeze %dma_wait3A_41 : memref<1x125xi32, #tpu.memory_space<vmem>> -> memref<125xi32, #tpu.memory_space<vmem>>
    %dma_wait3A_43 = arith.constant 0 : i32
    %dma_wait3A_44 = arith.constant 0 : i32
    %dma_wait3A_45 = tpu.memref_slice %arg12[%dma_wait3A_43, %dma_wait3A_44] : memref<10000x128xbf16, #tpu.memory_space<vmem_shared>> -> memref<10000x128xbf16, #tpu.memory_space<vmem_shared>>
    tpu.wait_indirect_dma semaphore(%arg15 : memref<!tpu.dma_semaphore, #tpu.memory_space<semaphore_mem>>) src(%arg11 : memref<125x128xbf16, #tpu.memory_space<vmem>>) dst(%dma_wait3A_45 : memref<10000x128xbf16, #tpu.memory_space<vmem_shared>>)
    %barrier3A_46 = arith.constant 0 : index
    tpu.barrier barrier_id(%barrier3A_46)
    %mul3A_47 = arith.constant 625 : i32
    %mul3A_48 = arith.muli %arg1, %mul3A_47 : i32
    %mul3A_49 = arith.constant 625 : i32
    %mul3A_50 = arith.muli %arg1, %mul3A_49 : i32
    "tpu.region"() ({
      %run_scoped3A = tpu.sem_alloc : memref<!tpu.dma_semaphore, #tpu.memory_space<semaphore_mem>>
      %dma_start3A_51 = arith.constant 0 : i32
      %dma_start3A_52 = tpu.memref_slice %arg5[%arg0, %mul3A_50, %dma_start3A_51] : memref<2x10000x128xbf16, #tpu.memory_space<hbm>> -> memref<1x625x128xbf16, #tpu.memory_space<hbm>>
      %dma_start3A_53 = tpu.memref_squeeze %dma_start3A_52 : memref<1x625x128xbf16, #tpu.memory_space<hbm>> -> memref<625x128xbf16, #tpu.memory_space<hbm>>
      %dma_start3A_54 = arith.constant 0 : i32
      %dma_start3A_55 = tpu.memref_slice %arg12[%mul3A_48, %dma_start3A_54] : memref<10000x128xbf16, #tpu.memory_space<vmem_shared>> -> memref<625x128xbf16, #tpu.memory_space<vmem_shared>>
      tpu.enqueue_dma source(%dma_start3A_55 : memref<625x128xbf16, #tpu.memory_space<vmem_shared>>) target(%dma_start3A_53 : memref<625x128xbf16, #tpu.memory_space<hbm>>) target_semaphore(%run_scoped3A : memref<!tpu.dma_semaphore, #tpu.memory_space<semaphore_mem>>)
      %dma_wait3A_56 = arith.constant 0 : i32
      %dma_wait3A_57 = tpu.memref_slice %arg5[%arg0, %mul3A_50, %dma_wait3A_56] : memref<2x10000x128xbf16, #tpu.memory_space<hbm>> -> memref<1x625x128xbf16, #tpu.memory_space<hbm>>
      %dma_wait3A_58 = tpu.memref_squeeze %dma_wait3A_57 : memref<1x625x128xbf16, #tpu.memory_space<hbm>> -> memref<625x128xbf16, #tpu.memory_space<hbm>>
      %dma_wait3A_59 = arith.constant 0 : i32
      %dma_wait3A_60 = tpu.memref_slice %arg12[%mul3A_48, %dma_wait3A_59] : memref<10000x128xbf16, #tpu.memory_space<vmem_shared>> -> memref<625x128xbf16, #tpu.memory_space<vmem_shared>>
      tpu.wait_dma2 semaphore(%run_scoped3A : memref<!tpu.dma_semaphore, #tpu.memory_space<semaphore_mem>>) src(%dma_wait3A_60 : memref<625x128xbf16, #tpu.memory_space<vmem_shared>>) dst(%dma_wait3A_58 : memref<625x128xbf16, #tpu.memory_space<hbm>>)
      tpu.yield
    }) : () -> ()
    return
  }
}

module attributes {stable_mosaic.version = 14 : i64} {
  func.func @_tc_linear_body(%arg0: i32, %arg1: memref<2000x256xf32, #tpu.memory_space<vmem>>, %arg2: memref<256x256xf32, #tpu.memory_space<vmem>>, %arg3: memref<1x32x2000xf32, #tpu.memory_space<vmem>>, %arg4: memref<2x2000x128xbf16, #tpu.memory_space<vmem>>, %arg5: memref<2000x1xf32, #tpu.memory_space<vmem>>) attributes {dimension_semantics = [#tpu.dimension_semantics<arbitrary>], iteration_bounds = array<i64: 5>, scalar_prefetch = 0 : i64, scratch_operands = 0 : i64, tpu.core_type = #tpu.core_type<tc>, window_params = [{transform_indices = @transform_0, window_bounds = array<i64: 2000, 256>}, {pipeline_mode = #tpu.pipeline_mode<synchronous>, transform_indices = @transform_1, window_bounds = array<i64: 256, 256>}, {transform_indices = @transform_2, window_bounds = array<i64: 1, 32, 2000>}, {transform_indices = @transform_3, window_bounds = array<i64: 2, 2000, 128>}, {transform_indices = @transform_4, window_bounds = array<i64: 2000, 1>}]} {
    %get3A = arith.constant 0 : index
    %get3A_0 = arith.constant 0 : index
    %get3A_1 = vector.load %arg1[%get3A, %get3A_0] : memref<2000x256xf32, #tpu.memory_space<vmem>>, vector<2000x256xf32>
    %get3A_2 = arith.constant 0 : index
    %get3A_3 = arith.constant 0 : index
    %get3A_4 = vector.load %arg2[%get3A_2, %get3A_3] : memref<256x256xf32, #tpu.memory_space<vmem>>, vector<256x256xf32>
    %dot_general3A = arith.constant dense<0.000000e+00> : vector<2000x256xf32>
    %dot_general3A_5 = tpu.matmul %get3A_1, %get3A_4, %dot_general3A {dimension_numbers = #tpu.dot_dimension_numbers<[1], [0], [0], [1], [0, 0, 1, 1], [], []>, transpose_lhs_hint = false} : vector<2000x256xf32>, vector<256x256xf32>, vector<2000x256xf32> -> vector<2000x256xf32>
    %get3A_6 = arith.constant 0 : index
    %get3A_7 = arith.constant 0 : index
    %get3A_8 = arith.constant 0 : index
    %get3A_9 = vector.load %arg3[%get3A_6, %get3A_7, %get3A_8] : memref<1x32x2000xf32, #tpu.memory_space<vmem>>, vector<1x32x2000xf32>
    %get3A_10 = vector.shape_cast %get3A_9 : vector<1x32x2000xf32> to vector<32x2000xf32>
    %reduce_sum3A = arith.constant dense<0.000000e+00> : vector<2000xf32>
    %reduce_sum3A_11 = vector.multi_reduction <add>, %get3A_10, %reduce_sum3A [0] : vector<32x2000xf32> to vector<2000xf32>
    %add3A = arith.constant 1.000000e+00 : f32
    %add3A_12 = vector.broadcast %add3A : f32 to vector<2000xf32>
    %add3A_13 = arith.addf %add3A_12, %reduce_sum3A_11 : vector<2000xf32>
    %rsqrt3A = math.rsqrt %add3A_13 : vector<2000xf32>
    %broadcast_in_dim3A = vector.shape_cast %rsqrt3A : vector<2000xf32> to vector<2000x1xf32>
    %mul3A = vector.broadcast %broadcast_in_dim3A : vector<2000x1xf32> to vector<2000x256xf32>
    %mul3A_14 = arith.mulf %dot_general3A_5, %mul3A : vector<2000x256xf32>
    %convert_element_type3A = arith.truncf %mul3A_14 : vector<2000x256xf32> to vector<2000x256xbf16>
    %slice3A = vector.extract_strided_slice %convert_element_type3A {offsets = [0, 0], sizes = [2000, 128], strides = [1, 1]} : vector<2000x256xbf16> to vector<2000x128xbf16>
    %swap3A = arith.constant 0 : index
    %swap3A_15 = arith.constant 0 : index
    %swap3A_16 = arith.constant 0 : index
    %swap3A_17 = vector.load %arg4[%swap3A, %swap3A_15, %swap3A_16] : memref<2x2000x128xbf16, #tpu.memory_space<vmem>>, vector<1x2000x128xbf16>
    %swap3A_18 = vector.shape_cast %swap3A_17 : vector<1x2000x128xbf16> to vector<2000x128xbf16>
    %swap3A_19 = vector.shape_cast %slice3A : vector<2000x128xbf16> to vector<1x2000x128xbf16>
    tpu.vector_store %arg4[%swap3A, %swap3A_15, %swap3A_16], %swap3A_19 {strides = array<i32>} : memref<2x2000x128xbf16, #tpu.memory_space<vmem>>, vector<1x2000x128xbf16>,
    %slice3A_20 = vector.extract_strided_slice %convert_element_type3A {offsets = [0, 128], sizes = [2000, 128], strides = [1, 1]} : vector<2000x256xbf16> to vector<2000x128xbf16>
    %swap3A_21 = arith.constant 1 : index
    %swap3A_22 = arith.constant 0 : index
    %swap3A_23 = arith.constant 0 : index
    %swap3A_24 = vector.load %arg4[%swap3A_21, %swap3A_22, %swap3A_23] : memref<2x2000x128xbf16, #tpu.memory_space<vmem>>, vector<1x2000x128xbf16>
    %swap3A_25 = vector.shape_cast %swap3A_24 : vector<1x2000x128xbf16> to vector<2000x128xbf16>
    %swap3A_26 = vector.shape_cast %slice3A_20 : vector<2000x128xbf16> to vector<1x2000x128xbf16>
    tpu.vector_store %arg4[%swap3A_21, %swap3A_22, %swap3A_23], %swap3A_26 {strides = array<i32>} : memref<2x2000x128xbf16, #tpu.memory_space<vmem>>, vector<1x2000x128xbf16>,
    %broadcast_in_dim3A_27 = vector.shape_cast %rsqrt3A : vector<2000xf32> to vector<2000x1xf32>
    %swap3A_28 = arith.constant 0 : index
    %swap3A_29 = arith.constant 0 : index
    %swap3A_30 = vector.load %arg5[%swap3A_28, %swap3A_29] : memref<2000x1xf32, #tpu.memory_space<vmem>>, vector<2000x1xf32>
    tpu.vector_store %arg5[%swap3A_28, %swap3A_29], %broadcast_in_dim3A_27 {strides = array<i32>} : memref<2000x1xf32, #tpu.memory_space<vmem>>, vector<2000x1xf32>,
    return
  }
  func.func @transform_0(%arg0: i32) -> (i32, i32) {
    %c0_i32 = arith.constant 0 : i32
    %c0_i32_0 = arith.constant 0 : i32
    return %arg0, %c0_i32 : i32, i32
  }
  func.func @transform_1(%arg0: i32) -> (i32, i32) {
    %c0_i32 = arith.constant 0 : i32
    %c0_i32_0 = arith.constant 0 : i32
    %c0_i32_1 = arith.constant 0 : i32
    return %c0_i32, %c0_i32_0 : i32, i32
  }
  func.func @transform_2(%arg0: i32) -> (i32, i32, i32) {
    %c0_i32 = arith.constant 0 : i32
    %c0_i32_0 = arith.constant 0 : i32
    %c0_i32_1 = arith.constant 0 : i32
    return %arg0, %c0_i32, %c0_i32_0 : i32, i32, i32
  }
  func.func @transform_3(%arg0: i32) -> (i32, i32, i32) {
    %c0_i32 = arith.constant 0 : i32
    %c0_i32_0 = arith.constant 0 : i32
    %c0_i32_1 = arith.constant 0 : i32
    return %c0_i32, %arg0, %c0_i32_0 : i32, i32, i32
  }
  func.func @transform_4(%arg0: i32) -> (i32, i32) {
    %c0_i32 = arith.constant 0 : i32
    %c0_i32_0 = arith.constant 0 : i32
    return %arg0, %c0_i32 : i32, i32
  }
}

module attributes {stable_mosaic.version = 14 : i64} {
  func.func @_tc_epilogue_body(%arg0: i32, %arg1: memref<2x2000x128xbf16, #tpu.memory_space<vmem>>, %arg2: memref<2000x1xf32, #tpu.memory_space<vmem>>, %arg3: memref<1x256xf32, #tpu.memory_space<vmem>>, %arg4: memref<1x256xf32, #tpu.memory_space<vmem>>, %arg5: memref<1x256xf32, #tpu.memory_space<vmem>>, %arg6: memref<2000x256xf32, #tpu.memory_space<vmem>>, %arg7: memref<2000x256xf32, #tpu.memory_space<vmem>>) attributes {dimension_semantics = [#tpu.dimension_semantics<arbitrary>], iteration_bounds = array<i64: 5>, scalar_prefetch = 0 : i64, scratch_operands = 0 : i64, tpu.core_type = #tpu.core_type<tc>, window_params = [{transform_indices = @transform_0, window_bounds = array<i64: 2, 2000, 128>}, {transform_indices = @transform_1, window_bounds = array<i64: 2000, 1>}, {pipeline_mode = #tpu.pipeline_mode<synchronous>, transform_indices = @transform_2, window_bounds = array<i64: 1, 256>}, {pipeline_mode = #tpu.pipeline_mode<synchronous>, transform_indices = @transform_3, window_bounds = array<i64: 1, 256>}, {pipeline_mode = #tpu.pipeline_mode<synchronous>, transform_indices = @transform_4, window_bounds = array<i64: 1, 256>}, {transform_indices = @transform_5, window_bounds = array<i64: 2000, 256>}, {transform_indices = @transform_6, window_bounds = array<i64: 2000, 256>}]} {
    %get3A = arith.constant 0 : index
    %get3A_0 = arith.constant 0 : index
    %get3A_1 = arith.constant 0 : index
    %get3A_2 = vector.load %arg1[%get3A, %get3A_0, %get3A_1] : memref<2x2000x128xbf16, #tpu.memory_space<vmem>>, vector<1x2000x128xbf16>
    %get3A_3 = vector.shape_cast %get3A_2 : vector<1x2000x128xbf16> to vector<2000x128xbf16>
    %get3A_4 = arith.constant 1 : index
    %get3A_5 = arith.constant 0 : index
    %get3A_6 = arith.constant 0 : index
    %get3A_7 = vector.load %arg1[%get3A_4, %get3A_5, %get3A_6] : memref<2x2000x128xbf16, #tpu.memory_space<vmem>>, vector<1x2000x128xbf16>
    %get3A_8 = vector.shape_cast %get3A_7 : vector<1x2000x128xbf16> to vector<2000x128xbf16>
    %concatenate3A = tpu.concatenate %get3A_3, %get3A_8 in 1 : vector<2000x128xbf16>, vector<2000x128xbf16> -> vector<2000x256xbf16>
    %convert_element_type3A = arith.extf %concatenate3A : vector<2000x256xbf16> to vector<2000x256xf32>
    %get3A_9 = arith.constant 0 : index
    %get3A_10 = arith.constant 0 : index
    %get3A_11 = vector.load %arg2[%get3A_9, %get3A_10] : memref<2000x1xf32, #tpu.memory_space<vmem>>, vector<2000x1xf32>
    %mul3A = vector.broadcast %get3A_11 : vector<2000x1xf32> to vector<2000x256xf32>
    %mul3A_12 = arith.mulf %convert_element_type3A, %mul3A : vector<2000x256xf32>
    %get3A_13 = arith.constant 0 : index
    %get3A_14 = arith.constant 0 : index
    %get3A_15 = vector.load %arg3[%get3A_13, %get3A_14] : memref<1x256xf32, #tpu.memory_space<vmem>>, vector<1x256xf32>
    %add3A = vector.broadcast %get3A_15 : vector<1x256xf32> to vector<2000x256xf32>
    %add3A_16 = arith.addf %mul3A_12, %add3A : vector<2000x256xf32>
    %gt3A = arith.constant 0.000000e+00 : f32
    %gt3A_17 = vector.broadcast %gt3A : f32 to vector<2000x256xf32>
    %gt3A_18 = arith.cmpf ogt, %add3A_16, %gt3A_17 : vector<2000x256xf32>
    %exp3A = math.exp %add3A_16 : vector<2000x256xf32>
    %sub3A = arith.constant 1.000000e+00 : f32
    %sub3A_19 = vector.broadcast %sub3A : f32 to vector<2000x256xf32>
    %sub3A_20 = arith.subf %exp3A, %sub3A_19 : vector<2000x256xf32>
    %select_n3A = arith.select %gt3A_18, %add3A_16, %sub3A_20 : vector<2000x256xi1>, vector<2000x256xf32>
    %reduce_sum3A = arith.constant dense<0.000000e+00> : vector<2000xf32>
    %reduce_sum3A_21 = vector.multi_reduction <add>, %select_n3A, %reduce_sum3A [1] : vector<2000x256xf32> to vector<2000xf32>
    %broadcast_in_dim3A = vector.shape_cast %reduce_sum3A_21 : vector<2000xf32> to vector<2000x1xf32>
    %div3A = arith.constant 2.560000e+02 : f32
    %div3A_22 = vector.broadcast %div3A : f32 to vector<2000x1xf32>
    %div3A_23 = arith.divf %broadcast_in_dim3A, %div3A_22 : vector<2000x1xf32>
    %sub3A_24 = vector.broadcast %div3A_23 : vector<2000x1xf32> to vector<2000x256xf32>
    %sub3A_25 = arith.subf %select_n3A, %sub3A_24 : vector<2000x256xf32>
    %integer_pow3A = arith.mulf %sub3A_25, %sub3A_25 : vector<2000x256xf32>
    %reduce_sum3A_26 = arith.constant dense<0.000000e+00> : vector<2000xf32>
    %reduce_sum3A_27 = vector.multi_reduction <add>, %integer_pow3A, %reduce_sum3A_26 [1] : vector<2000x256xf32> to vector<2000xf32>
    %broadcast_in_dim3A_28 = vector.shape_cast %reduce_sum3A_27 : vector<2000xf32> to vector<2000x1xf32>
    %div3A_29 = arith.constant 2.560000e+02 : f32
    %div3A_30 = vector.broadcast %div3A_29 : f32 to vector<2000x1xf32>
    %div3A_31 = arith.divf %broadcast_in_dim3A_28, %div3A_30 : vector<2000x1xf32>
    %sub3A_32 = vector.broadcast %div3A_23 : vector<2000x1xf32> to vector<2000x256xf32>
    %sub3A_33 = arith.subf %select_n3A, %sub3A_32 : vector<2000x256xf32>
    %add3A_34 = arith.constant 9.99999974E-6 : f32
    %add3A_35 = vector.broadcast %add3A_34 : f32 to vector<2000x1xf32>
    %add3A_36 = arith.addf %div3A_31, %add3A_35 : vector<2000x1xf32>
    %rsqrt3A = math.rsqrt %add3A_36 : vector<2000x1xf32>
    %mul3A_37 = vector.broadcast %rsqrt3A : vector<2000x1xf32> to vector<2000x256xf32>
    %mul3A_38 = arith.mulf %sub3A_33, %mul3A_37 : vector<2000x256xf32>
    %get3A_39 = arith.constant 0 : index
    %get3A_40 = arith.constant 0 : index
    %get3A_41 = vector.load %arg4[%get3A_39, %get3A_40] : memref<1x256xf32, #tpu.memory_space<vmem>>, vector<1x256xf32>
    %mul3A_42 = vector.broadcast %get3A_41 : vector<1x256xf32> to vector<2000x256xf32>
    %mul3A_43 = arith.mulf %mul3A_38, %mul3A_42 : vector<2000x256xf32>
    %get3A_44 = arith.constant 0 : index
    %get3A_45 = arith.constant 0 : index
    %get3A_46 = vector.load %arg5[%get3A_44, %get3A_45] : memref<1x256xf32, #tpu.memory_space<vmem>>, vector<1x256xf32>
    %add3A_47 = vector.broadcast %get3A_46 : vector<1x256xf32> to vector<2000x256xf32>
    %add3A_48 = arith.addf %mul3A_43, %add3A_47 : vector<2000x256xf32>
    %get3A_49 = arith.constant 0 : index
    %get3A_50 = arith.constant 0 : index
    %get3A_51 = vector.load %arg6[%get3A_49, %get3A_50] : memref<2000x256xf32, #tpu.memory_space<vmem>>, vector<2000x256xf32>
    %add3A_52 = arith.addf %add3A_48, %get3A_51 : vector<2000x256xf32>
    %swap3A = arith.constant 0 : index
    %swap3A_53 = arith.constant 0 : index
    %swap3A_54 = vector.load %arg7[%swap3A, %swap3A_53] : memref<2000x256xf32, #tpu.memory_space<vmem>>, vector<2000x256xf32>
    tpu.vector_store %arg7[%swap3A, %swap3A_53], %add3A_52 {strides = array<i32>} : memref<2000x256xf32, #tpu.memory_space<vmem>>, vector<2000x256xf32>,
    return
  }
  func.func @transform_0(%arg0: i32) -> (i32, i32, i32) {
    %c0_i32 = arith.constant 0 : i32
    %c0_i32_0 = arith.constant 0 : i32
    %c0_i32_1 = arith.constant 0 : i32
    return %c0_i32, %arg0, %c0_i32_0 : i32, i32, i32
  }
  func.func @transform_1(%arg0: i32) -> (i32, i32) {
    %c0_i32 = arith.constant 0 : i32
    %c0_i32_0 = arith.constant 0 : i32
    return %arg0, %c0_i32 : i32, i32
  }
  func.func @transform_2(%arg0: i32) -> (i32, i32) {
    %c0_i32 = arith.constant 0 : i32
    %c0_i32_0 = arith.constant 0 : i32
    %c0_i32_1 = arith.constant 0 : i32
    return %c0_i32, %c0_i32_0 : i32, i32
  }
  func.func @transform_3(%arg0: i32) -> (i32, i32) {
    %c0_i32 = arith.constant 0 : i32
    %c0_i32_0 = arith.constant 0 : i32
    %c0_i32_1 = arith.constant 0 : i32
    return %c0_i32, %c0_i32_0 : i32, i32
  }
  func.func @transform_4(%arg0: i32) -> (i32, i32) {
    %c0_i32 = arith.constant 0 : i32
    %c0_i32_0 = arith.constant 0 : i32
    %c0_i32_1 = arith.constant 0 : i32
    return %c0_i32, %c0_i32_0 : i32, i32
  }
  func.func @transform_5(%arg0: i32) -> (i32, i32) {
    %c0_i32 = arith.constant 0 : i32
    %c0_i32_0 = arith.constant 0 : i32
    return %arg0, %c0_i32 : i32, i32
  }
  func.func @transform_6(%arg0: i32) -> (i32, i32) {
    %c0_i32 = arith.constant 0 : i32
    %c0_i32_0 = arith.constant 0 : i32
    return %arg0, %c0_i32 : i32, i32
  }
}

</mosaic_0001>

<sc_bundles>
// kernel: kernel.6.cloned.1.call-start
scs
__scs_entry_jumppad:
0x0: {  	(pc) =	sbr.rel $0x88, $3  }
0x1: {  	(tag) =	ssettag $0x0;
	lr =	simm.s32 $0x1  }
0x2: {  	[smem:$0x3F9B] =	sst lr;
	_ =	strace $0xD0000000  }
0x3: {  	_ = 	snop  }
0x4: {  	_ = 	snop  }
0x5: {  	_ = 	snop  }
0x6: {  	_ = 	snop  }
0x7: {  	_ = 	snop  }
__scs_overlays_trampoline_lowered:
0x8: {  	[smem:$0x3FAA] =	sst s0  }
0x9: {  	[smem:$0x3FAB] =	sst s1  }
0xa: {  	[smem:$0x3FAC] =	sst s2  }
0xb: {  	[smem:$0x3FAD] =	sst s3  }
0xc: {  	[smem:$0x3FAE] =	sst s4  }
0xd: {  	[smem:$0x3FAF] =	sst s5  }
0xe: {  	[smem:$0x3FB0] =	sst s6  }
0xf: {  	[smem:$0x3FB1] =	sst s7  }
0x10: {  	[smem:$0x3FB2] =	sst s8  }
0x11: {  	[smem:$0x3FB3] =	sst s9;
	s0 =	simm.s32 @!p0 $0x0  }
0x12: {  	s1 =	sld [smem:$0x3F99];
	s0 =	simm.s32 @p0 $0x1  }
0x13: {  	[smem:$0x3FB4] =	sst s0;
	s0 =	simm.s32 @!p1 $0x0  }
0x14: {  	s2 =	sld [smem:$0x3F98];
	s0 =	simm.s32 @p1 $0x1  }
0x15: {  	[smem:$0x3FB5] =	sst s0;
	s0 =	simm.s32 @!p2 $0x0  }
0x16: {  	s3 =	sld [smem:$0x3FDB];
	s0 =	simm.s32 @p2 $0x1  }
0x17: {  	s4 =	simm.s32 $0x1BF5;
	[smem:$0x3FB7] =	sst s0  }
0x18: {  	s0 =	sld [smem:$0x3F9A];
	_ =	swait.ge [sflag:s4], $0x0  }
0x19: {  	s7 =	sld [smem:$0x3F9B]  }
0x1a: {  	s8 =	sadd.s32 $0xFFFFE003, lr  }
0x1b: {  	s9 =	sadd.s32 $0xFFFFFEF7, lr;
	s5 =	simm.s32 $0xFFFFFFFF;
	p2 =	slt.u32 s8, $0xFFFFF086  }
0x1c: {  	p1 =	slt.u32 s9, $0xF7A;
	s5 =	simm.s32 @!p2 $0x0  }
0x1d: {  	s5 =	simm.s32 @p1 $0x1;
	p0 =	seq.s32 s7, s2  }
0x1e: {  	s7 =	smul.u32 @!p0 $0xF7A, s2;
	p2 =	seq.s32 @!p0 s5, $0x0  }
0x1f: {  	s9 =	smul.u32 $0xF7A, s1;
	s8 =	simm.s32 @!p0 $0x1BF5;
	p2 =	por !p2, p0  }
0x20: {  	[sflag:s8] =	ssyncset.s32 @!p0 $0xFFFFF086;
	s6 =	sadd.s32 @!p0 s3, s7;
	s7 =	simm.s32 @!p0 $0x108  }
0x21: {  	s3 =	sadd.s32 s3, s9;
	s6 =	sadd.s32 @!p0 $0x88, s6;
	s7 =	simm.s32 @p2 $0x1082  }
0x22: {  	[simem:s7], [sflag:s8] =	dma.local @!p0 [hbm:s6], $0xF7A  }
0x23: {  	s9 =	sor.u32 $0xD0000000, s2;
	s6 =	simm.s32 $0x108;
	_ =	swait.ge @!p0 [sflag:s8], $0x0  }
0x24: {  	s3 =	sadd.s32 $0x88, s3;
	s6 =	simm.s32 @!p1 $0x1082;
	[sflag:s4] =	ssyncset.s32 $0xFFFFF086  }
0x25: {  	[simem:s6], [sflag:s4] =	dma.local [hbm:s3], $0xF7A  }
0x26: {  	[smem:$0x3F9B] =	sst s1;
	(tag) =	ssettag s2;
	_ =	strace s9  }
0x27: {  	s1 =	sld [smem:$0x3FAB]  }
0x28: {  	s2 =	sld [smem:$0x3FAC]  }
0x29: {  	s4 =	sld [smem:$0x3FAE]  }
0x2a: {  	p0 =	seq.s32 s5, $0x0;
	s5 =	sld [smem:$0x3FAF]  }
0x2b: {  	s6 =	sld [smem:$0x3FB0]  }
0x2c: {  	s7 =	sld [smem:$0x3FB1]  }
0x2d: {  	s3 =	simm.s32 $0x108;
	s8 =	sld [smem:$0x3FB2]  }
0x2e: {  	s3 =	simm.s32 @!p0 $0x1082;
	s9 =	sld [smem:$0x3FB3]  }
0x2f: {  	lr =	sadd.s32 s0, s3;
	s0 =	sld [smem:$0x3FAA]  }
0x30: {  	s3 =	sld [smem:$0x3FAD]  }
0x31: {  	[smem:$0x3FB6] =	sst s10  }
0x32: {  	s10 =	sld [smem:$0x3FB4];
	_ =	sdelay $0x3  }
0x33: {  	p0 =	seq.s32 s10, $0x1;
	s10 =	sld [smem:$0x3FB6];
	_ =	sdelay $0x3  }
0x34: {  	[smem:$0x3FB6] =	sst s10  }
0x35: {  	s10 =	sld [smem:$0x3FB5];
	_ =	sdelay $0x3  }
0x36: {  	p1 =	seq.s32 s10, $0x1;
	s10 =	sld [smem:$0x3FB6];
	_ =	sdelay $0x3  }
0x37: {  	[smem:$0x3FB6] =	sst s10  }
0x38: {  	s10 =	sld [smem:$0x3FB7]  }
0x39: {  	_ = 	snop;
	(pc) =	sbr.ind lr, $3  }
0x3a: {  	_ = 	snop  }
0x3b: {  	_ = 	snop  }
0x3c: {  	p2 =	seq.s32 s10, $0x1;
	s10 =	sld [smem:$0x3FB6]  }
0x3d: {  	_ =	shalt  }
0x3e: {  	_ =	shalt  }
0x3f: {  	_ =	shalt  }
0x40: {  	_ =	shalt  }
0x41: {  	_ =	shalt  }
0x42: {  	_ =	shalt  }
0x43: {  	_ =	shalt  }
0x44: {  	_ =	shalt  }
0x45: {  	_ =	shalt  }
0x46: {  	_ =	shalt  }
0x47: {  	_ =	shalt  }
0x48: {  	_ =	shalt  }
0x49: {  	_ =	shalt  }
0x4a: {  	_ =	shalt  }
0x4b: {  	_ =	shalt  }
0x4c: {  	_ =	shalt  }
0x4d: {  	_ =	shalt  }
0x4e: {  	_ =	shalt  }
0x4f: {  	_ =	shalt  }
0x50: {  	_ =	shalt  }
0x51: {  	_ =	shalt  }
0x52: {  	_ =	shalt  }
0x53: {  	_ =	shalt  }
0x54: {  	_ =	shalt  }
0x55: {  	_ =	shalt  }
0x56: {  	_ =	shalt  }
0x57: {  	_ =	shalt  }
0x58: {  	_ =	shalt  }
0x59: {  	_ =	shalt  }
0x5a: {  	_ =	shalt  }
0x5b: {  	_ =	shalt  }
0x5c: {  	_ =	shalt  }
0x5d: {  	_ =	shalt  }
0x5e: {  	_ =	shalt  }
0x5f: {  	_ =	shalt  }
0x60: {  	_ =	shalt  }
0x61: {  	_ =	shalt  }
0x62: {  	_ =	shalt  }
0x63: {  	_ =	shalt  }
0x64: {  	_ =	shalt  }
0x65: {  	_ =	shalt  }
0x66: {  	_ =	shalt  }
0x67: {  	_ =	shalt  }
0x68: {  	_ =	shalt  }
0x69: {  	_ =	shalt  }
0x6a: {  	_ =	shalt  }
0x6b: {  	_ =	shalt  }
0x6c: {  	_ =	shalt  }
0x6d: {  	_ =	shalt  }
0x6e: {  	_ =	shalt  }
0x6f: {  	_ =	shalt  }
0x70: {  	_ =	shalt  }
0x71: {  	_ =	shalt  }
0x72: {  	_ =	shalt  }
0x73: {  	_ =	shalt  }
0x74: {  	_ =	shalt  }
0x75: {  	_ =	shalt  }
0x76: {  	_ =	shalt  }
0x77: {  	_ =	shalt  }
0x78: {  	_ =	shalt  }
0x79: {  	_ =	shalt  }
0x7a: {  	_ =	shalt  }
0x7b: {  	_ =	shalt  }
0x7c: {  	_ =	shalt  }
0x7d: {  	_ =	shalt  }
0x7e: {  	_ =	shalt  }
0x7f: {  	_ =	shalt  }
0x80: {  	_ =	shalt  }
0x81: {  	_ =	shalt  }
0x82: {  	_ =	shalt  }
0x83: {  	_ =	shalt  }
0x84: {  	_ =	shalt  }
0x85: {  	_ =	shalt  }
0x86: {  	_ =	shalt  }
0x87: {  	_ =	shalt  }
.Lfunc_end0:
.L_simem_size_0:
called_computation_lowered:
.L_overlay_start_0:
0x88: {  	s2 =	sld [smem:$0x3FD9]  }
0x89: {  	s3 =	sld [smem:$0x3FFE];
	_ =	sdelay $0x1  }
0x8a: {  	s1 =	srdreg.scid  }
0x8b: {  	s0 =	sand.u32 $0x1, s1  }
0x8c: {  	s17 =	sshll.u32 s0, $0xA;
	s2 =	sadd.s32 s3, s2  }
0x8d: {  	s2 =	sadd.s32 s2, s17  }
0x8e: {  	[smem:$0x3FC2] =	sst s2  }
0x8f: {  	_ = 	snop  }
0x90: {  	s2 =	sld [smem:$0x3FD0];
	(tm) =	ssettm $0x1  }
0x91: {  	s18 =	sld [smem:$0x3FFB];
	_ =	sdelay $0x3  }
0x92: {  	_ =	strace s18  }
0x93: {  	s3 =	sld [smem:$0x3FFC];
	_ =	sdelay $0x3  }
0x94: {  	_ =	strace s3  }
0x95: {  	s3 =	sld [smem:$0x3FFD];
	_ =	sdelay $0x3  }
0x96: {  	_ =	strace s3  }
0x97: {  	_ =	strace $0x8FFFFFFF  }
0x98: {  	s19 =	sld [smem:$0x3FDB];
	_ =	sdelay $0x1  }
0x99: {  	s4 =	simm.s32 $_scs_section_size  }
0x9a: {  	s5 =	simm.s32 $_size__tile_overlayer_lowered;
	s6 =	simm.s32 $_tile_overlayer_lowered  }
0x9b: {  	s22 =	simm.s32 $0x1BFF;
	s21 =	sshll.u32 s6, $0x1;
	s3 =	sadd.s32 s4, s19  }
0x9c: {  	s7 =	simm.s32 $0x0;
	s20 =	sshll.u32 s5, $0x1;
	s5 =	sadd.s32 s21, s3  }
0x9d: {  	[timem:s7], [sflag:s22] =	dma.local [hbm:s5], s20  }
0x9e: {  	_ =	swait.ge [sflag:s22], s20  }
0x9f: {  	s4 =	ssub.s32 $0x0, s20;
	[sflag:s22] =	ssyncset.done $0x0  }
0xa0: {  	[sflag:s22] =	ssyncadd.s32 s4;
	_ =	sdelay $0x1  }
0xa1: {  	s23 =	simm.s32 $0x1B8B  }
0xa2: {  	_ =	swait.ge [sflag:s23], $0x1  }
0xa3: {  	[sflag:s23] =	ssyncset.done $0x0  }
0xa4: {  	s25 =	simm.s32 $0x1B8E;
	s24 =	sld [smem:$0x3FFE];
	[sflag:s23] =	ssyncadd.s32 $0xFFFFFFFF  }
0xa5: {  	s26 =	simm.s32 $execute0_lowered;
	[smem:$0x3FD2] =	sst s25  }
0xa6: {  	s5 =	sshll.u32 s26, $0x1;
	_ =	strace $0x80000046;
	[dreg:$0x1] =	wrdreg $0xFFFFFFFF  }
0xa7: {  	s28 =	simm.s32 $_size_execute0_lowered;
	s3 =	sadd.s32 s3, s5;
	[dreg:$0x0] =	wrdreg $0x0  }
0xa8: {  	s5 =	sshll.u32 s28, $0x1;
	[dreg:$0x2] =	wrdreg s3  }
0xa9: {  	[dreg:$0x3] =	wrdreg s5  }
0xaa: {  	[dreg:$0x4] =	wrdreg $0xC0  }
0xab: {  	_ =	task [dreg:s7], $0x5FFFF  }
0xac: {  	[dreg:$0x1] =	wrdreg $0xFFFFFFFF  }
0xad: {  	[dreg:$0x0] =	wrdreg $0x60  }
0xae: {  	[dreg:$0x2] =	wrdreg s24  }
0xaf: {  	[dreg:$0x3] =	wrdreg s2  }
0xb0: {  	[dreg:$0x4] =	wrdreg $0x9  }
0xb1: {  	_ =	task.clear_ibuf [dreg:s7], $0x5FFFF;
	_ =	strace $0x90000046  }
0xb2: {  	s29 =	simm.s32 $0x9;
	_ =	strace $0x80000048  }
0xb3: {  	_ =	swait.ge [sflag:s29], $0x1  }
0xb4: {  	[sflag:s29] =	ssyncadd.s32 $0xFFFFFFFF  }
0xb5: {  	_ =	strace $0x90000048  }
0xb6: {  	_ =	sfence  }
0xb7: {  	s30 =	sld [smem:$0x0];
	_ =	sdelay $0x2  }
0xb8: {  	s31 =	sshll.u32 s1, $0xD;
	s1 =	sshrl.u32 s1, $0x2  }
0xb9: {  	s3 =	sand.u32 $0x4000, s31;
	s1 =	sadd.s32 s1, s30  }
0xba: {  	s0 =	sor.u32 s3, s0;
	s1 =	sshll.u32 s1, $0x11  }
0xbb: {  	s0 =	sor.u32 s1, s0  }
0xbc: {  	s0 =	sadd.s32 $0x8F2B, s0  }
0xbd: {  	[sflag:s0] =	ssyncadd.remote.s32 $0x1  }
0xbe: {  	_ =	sfence.sel $0xFFFF  }
0xbf: {  	[dreg:$0x0] =	wrdreg $0xFFFFFFFF;
	(pc) =	sbr.abs _section_cstart, $3  }
0xc0: {  	[dreg:$0x1] =	wrdreg $0xFFFFFFFF  }
0xc1: {  	_ =	task.clear_ibuf [dreg:s7], $0x2FFFF;
	_ =	strace $0x9FFFFFFF  }
0xc2: {  	(tm) =	ssettm $0x7FFFFFFF  }
0xc3: {  	_ =	shalt  }
tec
execute0_lowered:
.L_overlay_start_1:
0x0: {  	(tag) =	ssettag $0x1  }
0x1: {  	s1 =	srdreg.scid;
	s3 =	rddreg [dreg:$0x0]  }
0x2: {  	s0 =	stileid.u32;
	s5 =	rddreg [dreg:$0x1];
	s2 =	simm.s32 $0x0  }
0x3: {  	s10 =	simm.s32 $0x1;
	s4 =	sand.u32 $0x1, s1;
	s30 =	sshll.u32 s0, $0x1  }
0x4: {  	s11 =	simm.s32 $0x1390;
	s12 =	simm.s32 $0x1B60;
	s6 =	sor.u32 s4, s30  }
0x5: {  	s13 =	simm.s32 $0x2330;
	s14 =	simm.s32 $0x2B00;
	s7 =	smul.u32 $0x271, s6  }
0x6: {  	s15 =	simm.s32 $0x32D0;
	s1 =	rddreg [dreg:$0x2];
	s6 =	smul.u32 $0x7D0, s6  }
0x7: {  	s16 =	simm.s32 $0x0;
	[smem:$0x7FF] =	sst s2;
	s4 =	ssub.s32 $0x2, s4  }
0x8: {  	_ =	strace $0x80000047;
	s31 =	sshrl.u32 s4, $0x1;
	s6 =	sshrl.u32 s6, $0x3  }
0x9: {  	s3 =	sadd.s32 s7, s3;
	s7 =	ssub.s32 s4, s31;
	s4 =	sadd.s32 s5, s6  }
0xa: {  	s3 =	sadd.s32 $0x1800, s3;
	s5 =	smax.u32 s7, $0x1;
	s6 =	sadd.s32 $0x1F40, s4  }
0xb: {  	v0 =	vimm.f32 $0.0e+00;
	v1 =	vimm.s32 $0x0;
	v2 =	vimm.f32 $1.000000000e+00;
	s7 =	sadd.s32 $0x3E80, s4;
	s8 =	sadd.s32 $0x5DC0, s4;
	s9 =	sadd.s32 $0x7D00, s4  }
.LBB2_1:
0xc: {  	s17 =	simm.s32 $0x40;
	s18 =	simm.s32 $0x0  }
.LBB2_2:
0xd: {  	p0 =	sne.s32 s17, $0x9C00;
	[tilespmem:s18+$0x1390] =	vst v0;
	s18 =	smov.u32 s17;
	s17 =	sadd.s32 $0x40, s17  }
.Ltmp0:
0xe: {  	(pc) =	sbr.rel @p0 .LBB2_2-.Ltmp0, $2  }
0xf: {  	_ =	sdelay $0x2  }
0x10: {  	s18 =	sshra.s32 s18, $0x2  }
0x11: {  	[tilespmem:s18+$0x1390] =	vst v0  }
0x12: {  	s17 =	simm.s32 $0x0;
	[tilespmem:$0x1380] =	vst v1  }
0x13: {  	[tilespmem:s17], [sflag:$0x1] =	stream.linear.gather [hbm4b:s3+s17], $0x1388, $0x38;
	[tilespmem:$0x3AA0] =	vst v63  }
0x14: {  	_ =	swait.ge [sflag:s10], $0x1388  }
0x15: {  	[sflag:s10] =	ssyncset.done $0x0  }
0x16: {  	s18 =	simm.s32 $0x0;
	s17 =	simm.s32 $0x40;
	[sflag:s10] =	ssyncadd.s32 $0xFFFFEC78  }
.LBB2_4:
0x17: {  	p0 =	sne.s32 s17, $0x4DC0;
	v3 =	vld [tilespmem:s18+$0x0];
	_ =	sdelay $0x3  }
.Ltmp1:
0x18: {  	(pc) =	sbr.rel @p0 .LBB2_4-.Ltmp1, $2  }
0x19: {  	_ =	sdelay $0x2  }
0x1a: {  	s18 =	sshra.s32 s17, $0x2;
	s17 =	sadd.s32 $0x40, s17;
	[tilespmem:v3+s11+$0x0] =	vst.idx.add.f32.msk $0xffff, v2  }
0x1b: {  	v3 =	vld [tilespmem:s18+$0x0];
	_ =	sdelay $0x7  }
0x1c: {  	[tilespmem:v3+s11+$0x0] =	vst.idx.add.f32.msk $0xffff, v2  }
0x1d: {  	v3 =	vld [tilespmem:$0x1380];
	_ =	sdelay $0x7  }
0x1e: {  	[tilespmem:v3+s11+$0x0] =	vst.idx.add.f32.msk $0xff, v2  }
0x1f: {  	[hbm4b:s4+s2] =	stream.linear.scatter [tilespmem:s11], [sflag:$0x1], $0x7D0, $0x38;
	[tilespmem:$0x3AA0] =	vst v63  }
0x20: {  	_ =	swait.ge [sflag:s10], $0x7D0  }
0x21: {  	[sflag:s10] =	ssyncset.done $0x0  }
0x22: {  	[sflag:s10] =	ssyncadd.s32 $0xFFFFF830  }
0x23: {  	[hbm4b:s6+s2] =	stream.linear.scatter [tilespmem:s12], [sflag:$0x1], $0x7D0, $0x38;
	[tilespmem:$0x3AA0] =	vst v63  }
0x24: {  	_ =	swait.ge [sflag:s10], $0x7D0  }
0x25: {  	[sflag:s10] =	ssyncset.done $0x0  }
0x26: {  	[sflag:s10] =	ssyncadd.s32 $0xFFFFF830  }
0x27: {  	[hbm4b:s7+s2] =	stream.linear.scatter [tilespmem:s13], [sflag:$0x1], $0x7D0, $0x38;
	[tilespmem:$0x3AA0] =	vst v63  }
0x28: {  	_ =	swait.ge [sflag:s10], $0x7D0  }
0x29: {  	[sflag:s10] =	ssyncset.done $0x0  }
0x2a: {  	[sflag:s10] =	ssyncadd.s32 $0xFFFFF830  }
0x2b: {  	[hbm4b:s8+s2] =	stream.linear.scatter [tilespmem:s14], [sflag:$0x1], $0x7D0, $0x38;
	[tilespmem:$0x3AA0] =	vst v63  }
0x2c: {  	s16 =	sadd.s32 $0x1, s16;
	_ =	swait.ge [sflag:s10], $0x7D0  }
0x2d: {  	p0 =	sne.s32 s16, s5;
	[sflag:s10] =	ssyncset.done $0x0  }
.Ltmp2:
0x2e: {  	[sflag:s10] =	ssyncadd.s32 $0xFFFFF830;
	(pc) =	sbr.rel @p0 .LBB2_1-.Ltmp2, $4  }
0x2f: {  	[hbm4b:s9+s2] =	stream.linear.scatter [tilespmem:s15], [sflag:$0x1], $0x7D0, $0x38;
	[tilespmem:$0x3AA0] =	vst v63  }
0x30: {  	_ =	swait.ge [sflag:s10], $0x7D0  }
0x31: {  	[sflag:s10] =	ssyncset.done $0x0  }
0x32: {  	[sflag:s10] =	ssyncadd.s32 $0xFFFFF830  }
0x33: {  	_ =	sfence.sel $0x180000  }
0x34: {  	[bflag:$0x0] =	sbarrier.arrive $0xFFFF  }
0x35: {  	p0 =	sne.s32 s0, $0x0;
	_ =	strace $0x90000047  }
0x36: {  	s0 =	sadd.s32 @!p0 $0x100000, s1;
	[bflag:$0x2] =	sbarrier.arrive $0xFFFF  }
0x37: {  	[sflag:s0] =	ssyncadd.tile.s32 @!p0 $0x1;
	_ =	shalt  }
.Lfunc_end2:
_tile_overlayer_lowered:
.L_overlay_start_2:
0x38: {  	(tag) =	ssettag $0x2  }
0x39: {  	s0 =	rddreg [dreg:$0x0];
	s2 =	stileid.u32  }
0x3a: {  	s1 =	rddreg [dreg:$0x1];
	p0 =	sne.s32 s2, $0x0  }
0x3b: {  	s3 =	rddreg [dreg:$0x2];
	[bflag:$0x3] =	sbarrier.arrive $0xFFFF;
	s2 =	simm.s32 @!p0 $0x1C01  }
0x3c: {  	[timem:s3], [sflag:s2] =	dma.local @!p0 [hbm:s0], s1  }
0x3d: {  	s0 =	simm.s32 @!p0 $0x1  }
0x3e: {  	_ =	swait.ge @!p0 [sflag:s0], s1  }
0x3f: {  	s1 =	ssub.s32 @!p0 $0x0, s1;
	[sflag:s0] =	ssyncset.done @!p0 $0x0  }
0x40: {  	[sflag:s0] =	ssyncadd.s32 @!p0 s1  }
0x41: {  	[bflag:$0x3] =	sbarrier.arrive $0xFFFF  }
0x42: {  	_ =	shalt  }

// kernel: kernel.9.cloned.1.call-start
scs
__scs_entry_jumppad:
0x0: {  	(pc) =	sbr.rel $0x88, $3  }
0x1: {  	(tag) =	ssettag $0x0;
	lr =	simm.s32 $0x1  }
0x2: {  	[smem:$0x3F9B] =	sst lr;
	_ =	strace $0xD0000000  }
0x3: {  	_ = 	snop  }
0x4: {  	_ = 	snop  }
0x5: {  	_ = 	snop  }
0x6: {  	_ = 	snop  }
0x7: {  	_ = 	snop  }
__scs_overlays_trampoline_lowered:
0x8: {  	[smem:$0x3FAA] =	sst s0  }
0x9: {  	[smem:$0x3FAB] =	sst s1  }
0xa: {  	[smem:$0x3FAC] =	sst s2  }
0xb: {  	[smem:$0x3FAD] =	sst s3  }
0xc: {  	[smem:$0x3FAE] =	sst s4  }
0xd: {  	[smem:$0x3FAF] =	sst s5  }
0xe: {  	[smem:$0x3FB0] =	sst s6  }
0xf: {  	[smem:$0x3FB1] =	sst s7  }
0x10: {  	[smem:$0x3FB2] =	sst s8  }
0x11: {  	[smem:$0x3FB3] =	sst s9;
	s0 =	simm.s32 @!p0 $0x0  }
0x12: {  	s1 =	sld [smem:$0x3F99];
	s0 =	simm.s32 @p0 $0x1  }
0x13: {  	[smem:$0x3FB4] =	sst s0;
	s0 =	simm.s32 @!p1 $0x0  }
0x14: {  	s2 =	sld [smem:$0x3F98];
	s0 =	simm.s32 @p1 $0x1  }
0x15: {  	[smem:$0x3FB5] =	sst s0;
	s0 =	simm.s32 @!p2 $0x0  }
0x16: {  	s3 =	sld [smem:$0x3FDB];
	s0 =	simm.s32 @p2 $0x1  }
0x17: {  	s4 =	simm.s32 $0x1BF5;
	[smem:$0x3FB7] =	sst s0  }
0x18: {  	s0 =	sld [smem:$0x3F9A];
	_ =	swait.ge [sflag:s4], $0x0  }
0x19: {  	s7 =	sld [smem:$0x3F9B]  }
0x1a: {  	s8 =	sadd.s32 $0xFFFFE003, lr  }
0x1b: {  	s9 =	sadd.s32 $0xFFFFFEF7, lr;
	s5 =	simm.s32 $0xFFFFFFFF;
	p2 =	slt.u32 s8, $0xFFFFF086  }
0x1c: {  	p1 =	slt.u32 s9, $0xF7A;
	s5 =	simm.s32 @!p2 $0x0  }
0x1d: {  	s5 =	simm.s32 @p1 $0x1;
	p0 =	seq.s32 s7, s2  }
0x1e: {  	s7 =	smul.u32 @!p0 $0xF7A, s2;
	p2 =	seq.s32 @!p0 s5, $0x0  }
0x1f: {  	s9 =	smul.u32 $0xF7A, s1;
	s8 =	simm.s32 @!p0 $0x1BF5;
	p2 =	por !p2, p0  }
0x20: {  	[sflag:s8] =	ssyncset.s32 @!p0 $0xFFFFF086;
	s6 =	sadd.s32 @!p0 s3, s7;
	s7 =	simm.s32 @!p0 $0x108  }
0x21: {  	s3 =	sadd.s32 s3, s9;
	s6 =	sadd.s32 @!p0 $0x88, s6;
	s7 =	simm.s32 @p2 $0x1082  }
0x22: {  	[simem:s7], [sflag:s8] =	dma.local @!p0 [hbm:s6], $0xF7A  }
0x23: {  	s9 =	sor.u32 $0xD0000000, s2;
	s6 =	simm.s32 $0x108;
	_ =	swait.ge @!p0 [sflag:s8], $0x0  }
0x24: {  	s3 =	sadd.s32 $0x88, s3;
	s6 =	simm.s32 @!p1 $0x1082;
	[sflag:s4] =	ssyncset.s32 $0xFFFFF086  }
0x25: {  	[simem:s6], [sflag:s4] =	dma.local [hbm:s3], $0xF7A  }
0x26: {  	[smem:$0x3F9B] =	sst s1;
	(tag) =	ssettag s2;
	_ =	strace s9  }
0x27: {  	s1 =	sld [smem:$0x3FAB]  }
0x28: {  	s2 =	sld [smem:$0x3FAC]  }
0x29: {  	s4 =	sld [smem:$0x3FAE]  }
0x2a: {  	p0 =	seq.s32 s5, $0x0;
	s5 =	sld [smem:$0x3FAF]  }
0x2b: {  	s6 =	sld [smem:$0x3FB0]  }
0x2c: {  	s7 =	sld [smem:$0x3FB1]  }
0x2d: {  	s3 =	simm.s32 $0x108;
	s8 =	sld [smem:$0x3FB2]  }
0x2e: {  	s3 =	simm.s32 @!p0 $0x1082;
	s9 =	sld [smem:$0x3FB3]  }
0x2f: {  	lr =	sadd.s32 s0, s3;
	s0 =	sld [smem:$0x3FAA]  }
0x30: {  	s3 =	sld [smem:$0x3FAD]  }
0x31: {  	[smem:$0x3FB6] =	sst s10  }
0x32: {  	s10 =	sld [smem:$0x3FB4];
	_ =	sdelay $0x3  }
0x33: {  	p0 =	seq.s32 s10, $0x1;
	s10 =	sld [smem:$0x3FB6];
	_ =	sdelay $0x3  }
0x34: {  	[smem:$0x3FB6] =	sst s10  }
0x35: {  	s10 =	sld [smem:$0x3FB5];
	_ =	sdelay $0x3  }
0x36: {  	p1 =	seq.s32 s10, $0x1;
	s10 =	sld [smem:$0x3FB6];
	_ =	sdelay $0x3  }
0x37: {  	[smem:$0x3FB6] =	sst s10  }
0x38: {  	s10 =	sld [smem:$0x3FB7]  }
0x39: {  	_ = 	snop;
	(pc) =	sbr.ind lr, $3  }
0x3a: {  	_ = 	snop  }
0x3b: {  	_ = 	snop  }
0x3c: {  	p2 =	seq.s32 s10, $0x1;
	s10 =	sld [smem:$0x3FB6]  }
0x3d: {  	_ =	shalt  }
0x3e: {  	_ =	shalt  }
0x3f: {  	_ =	shalt  }
0x40: {  	_ =	shalt  }
0x41: {  	_ =	shalt  }
0x42: {  	_ =	shalt  }
0x43: {  	_ =	shalt  }
0x44: {  	_ =	shalt  }
0x45: {  	_ =	shalt  }
0x46: {  	_ =	shalt  }
0x47: {  	_ =	shalt  }
0x48: {  	_ =	shalt  }
0x49: {  	_ =	shalt  }
0x4a: {  	_ =	shalt  }
0x4b: {  	_ =	shalt  }
0x4c: {  	_ =	shalt  }
0x4d: {  	_ =	shalt  }
0x4e: {  	_ =	shalt  }
0x4f: {  	_ =	shalt  }
0x50: {  	_ =	shalt  }
0x51: {  	_ =	shalt  }
0x52: {  	_ =	shalt  }
0x53: {  	_ =	shalt  }
0x54: {  	_ =	shalt  }
0x55: {  	_ =	shalt  }
0x56: {  	_ =	shalt  }
0x57: {  	_ =	shalt  }
0x58: {  	_ =	shalt  }
0x59: {  	_ =	shalt  }
0x5a: {  	_ =	shalt  }
0x5b: {  	_ =	shalt  }
0x5c: {  	_ =	shalt  }
0x5d: {  	_ =	shalt  }
0x5e: {  	_ =	shalt  }
0x5f: {  	_ =	shalt  }
0x60: {  	_ =	shalt  }
0x61: {  	_ =	shalt  }
0x62: {  	_ =	shalt  }
0x63: {  	_ =	shalt  }
0x64: {  	_ =	shalt  }
0x65: {  	_ =	shalt  }
0x66: {  	_ =	shalt  }
0x67: {  	_ =	shalt  }
0x68: {  	_ =	shalt  }
0x69: {  	_ =	shalt  }
0x6a: {  	_ =	shalt  }
0x6b: {  	_ =	shalt  }
0x6c: {  	_ =	shalt  }
0x6d: {  	_ =	shalt  }
0x6e: {  	_ =	shalt  }
0x6f: {  	_ =	shalt  }
0x70: {  	_ =	shalt  }
0x71: {  	_ =	shalt  }
0x72: {  	_ =	shalt  }
0x73: {  	_ =	shalt  }
0x74: {  	_ =	shalt  }
0x75: {  	_ =	shalt  }
0x76: {  	_ =	shalt  }
0x77: {  	_ =	shalt  }
0x78: {  	_ =	shalt  }
0x79: {  	_ =	shalt  }
0x7a: {  	_ =	shalt  }
0x7b: {  	_ =	shalt  }
0x7c: {  	_ =	shalt  }
0x7d: {  	_ =	shalt  }
0x7e: {  	_ =	shalt  }
0x7f: {  	_ =	shalt  }
0x80: {  	_ =	shalt  }
0x81: {  	_ =	shalt  }
0x82: {  	_ =	shalt  }
0x83: {  	_ =	shalt  }
0x84: {  	_ =	shalt  }
0x85: {  	_ =	shalt  }
0x86: {  	_ =	shalt  }
0x87: {  	_ =	shalt  }
.Lfunc_end0:
.L_simem_size_0:
called_computation.1_lowered:
.L_overlay_start_0:
0x88: {  	s2 =	sld [smem:$0x3FD9]  }
0x89: {  	s3 =	sld [smem:$0x3FFE];
	_ =	sdelay $0x1  }
0x8a: {  	s1 =	srdreg.scid  }
0x8b: {  	s0 =	sand.u32 $0x1, s1  }
0x8c: {  	s17 =	sshll.u32 s0, $0xA;
	s2 =	sadd.s32 s3, s2  }
0x8d: {  	s2 =	sadd.s32 s2, s17  }
0x8e: {  	[smem:$0x3FC2] =	sst s2  }
0x8f: {  	_ = 	snop  }
0x90: {  	s2 =	sld [smem:$0x3FD0];
	(tm) =	ssettm $0x1  }
0x91: {  	s18 =	sld [smem:$0x3FFB];
	_ =	sdelay $0x3  }
0x92: {  	_ =	strace s18  }
0x93: {  	s3 =	sld [smem:$0x3FFC];
	_ =	sdelay $0x3  }
0x94: {  	_ =	strace s3  }
0x95: {  	s3 =	sld [smem:$0x3FFD];
	_ =	sdelay $0x3  }
0x96: {  	_ =	strace s3  }
0x97: {  	_ =	strace $0x8FFFFFFF  }
0x98: {  	s19 =	sld [smem:$0x3FDB];
	_ =	sdelay $0x1  }
0x99: {  	s4 =	simm.s32 $_scs_section_size  }
0x9a: {  	s5 =	simm.s32 $_size__tile_overlayer_lowered;
	s6 =	simm.s32 $_tile_overlayer_lowered  }
0x9b: {  	s22 =	simm.s32 $0x1BFF;
	s21 =	sshll.u32 s6, $0x1;
	s3 =	sadd.s32 s4, s19  }
0x9c: {  	s7 =	simm.s32 $0x0;
	s20 =	sshll.u32 s5, $0x1;
	s5 =	sadd.s32 s21, s3  }
0x9d: {  	[timem:s7], [sflag:s22] =	dma.local [hbm:s5], s20  }
0x9e: {  	_ =	swait.ge [sflag:s22], s20  }
0x9f: {  	s4 =	ssub.s32 $0x0, s20;
	[sflag:s22] =	ssyncset.done $0x0  }
0xa0: {  	[sflag:s22] =	ssyncadd.s32 s4;
	_ =	sdelay $0x1  }
0xa1: {  	s23 =	simm.s32 $0x1B8B  }
0xa2: {  	_ =	swait.ge [sflag:s23], $0x1  }
0xa3: {  	[sflag:s23] =	ssyncset.done $0x0  }
0xa4: {  	s25 =	simm.s32 $0x1B8E;
	s24 =	sld [smem:$0x3FFE];
	[sflag:s23] =	ssyncadd.s32 $0xFFFFFFFF  }
0xa5: {  	s26 =	simm.s32 $execute0_lowered;
	[smem:$0x3FD2] =	sst s25  }
0xa6: {  	s5 =	sshll.u32 s26, $0x1;
	_ =	strace $0x80000049;
	[dreg:$0x1] =	wrdreg $0xFFFFFFFF  }
0xa7: {  	s28 =	simm.s32 $_size_execute0_lowered;
	s3 =	sadd.s32 s3, s5;
	[dreg:$0x0] =	wrdreg $0x0  }
0xa8: {  	s5 =	sshll.u32 s28, $0x1;
	[dreg:$0x2] =	wrdreg s3  }
0xa9: {  	[dreg:$0x3] =	wrdreg s5  }
0xaa: {  	[dreg:$0x4] =	wrdreg $0xC0  }
0xab: {  	_ =	task [dreg:s7], $0x5FFFF  }
0xac: {  	[dreg:$0x1] =	wrdreg $0xFFFFFFFF  }
0xad: {  	[dreg:$0x0] =	wrdreg $0x60  }
0xae: {  	[dreg:$0x2] =	wrdreg s24  }
0xaf: {  	[dreg:$0x3] =	wrdreg s2  }
0xb0: {  	[dreg:$0x4] =	wrdreg $0xCD000  }
0xb1: {  	[dreg:$0x5] =	wrdreg $0x9  }
0xb2: {  	_ =	task.clear_ibuf [dreg:s7], $0x6FFFF;
	_ =	strace $0x90000049  }
0xb3: {  	s29 =	simm.s32 $0x9;
	_ =	strace $0x8000004B  }
0xb4: {  	_ =	swait.ge [sflag:s29], $0x1  }
0xb5: {  	[sflag:s29] =	ssyncadd.s32 $0xFFFFFFFF  }
0xb6: {  	_ =	strace $0x9000004B  }
0xb7: {  	_ =	sfence  }
0xb8: {  	s30 =	sld [smem:$0x0];
	_ =	sdelay $0x2  }
0xb9: {  	s31 =	sshll.u32 s1, $0xD;
	s1 =	sshrl.u32 s1, $0x2  }
0xba: {  	s3 =	sand.u32 $0x4000, s31;
	s1 =	sadd.s32 s1, s30  }
0xbb: {  	s0 =	sor.u32 s3, s0;
	s1 =	sshll.u32 s1, $0x11  }
0xbc: {  	s0 =	sor.u32 s1, s0  }
0xbd: {  	s0 =	sadd.s32 $0x8F2B, s0  }
0xbe: {  	[sflag:s0] =	ssyncadd.remote.s32 $0x1  }
0xbf: {  	_ =	sfence.sel $0xFFFF  }
0xc0: {  	[dreg:$0x0] =	wrdreg $0xFFFFFFFF;
	(pc) =	sbr.abs _section_cstart, $3  }
0xc1: {  	[dreg:$0x1] =	wrdreg $0xFFFFFFFF  }
0xc2: {  	_ =	task.clear_ibuf [dreg:s7], $0x2FFFF;
	_ =	strace $0x9FFFFFFF  }
0xc3: {  	(tm) =	ssettm $0x7FFFFFFF  }
tec
execute0_lowered:
.L_overlay_start_1:
0x0: {  	(tag) =	ssettag $0x1  }
0x1: {  	s0 =	srdreg.scid;
	s1 =	rddreg [dreg:$0x0]  }
0x2: {  	s14 =	stileid.u32;
	s2 =	rddreg [dreg:$0x1];
	s15 =	simm.s32 $0x7D  }
0x3: {  	s16 =	simm.s32 $0x5000;
	s18 =	simm.s32 $0x6F40;
	s19 =	simm.s32 $0x1  }
0x4: {  	s20 =	simm.s32 $0x2;
	s22 =	simm.s32 $0x8E80;
	s6 =	smul.u32 $0x13880, s14  }
0x5: {  	s24 =	simm.s32 $0x180;
	s28 =	simm.s32 $0x3;
	s25 =	smul.u32 $0x500, s14  }
0x6: {  	s29 =	simm.s32 $0x200;
	s0 =	sand.u32 $0x1, s0;
	s11 =	smul.u32 $0x1388, s14  }
0x7: {  	s30 =	simm.s32 $0x2980;
	s31 =	simm.s32 $0x280;
	s7 =	smul.u32 $0x138800, s0  }
0x8: {  	s3 =	sshll.u32 s0, $0x4;
	s9 =	ssub.s32 $0x2, s0;
	s0 =	smul.u32 $0x13880, s0  }
0x9: {  	s4 =	sor.u32 s14, s3;
	s3 =	rddreg [dreg:$0x2];
	s10 =	sshrl.u32 s9, $0x1  }
0xa: {  	s12 =	sadd.s32 s25, s1;
	s25 =	simm.s32 $0xADC0;
	s5 =	smul.u32 $0x500, s4  }
0xb: {  	s4 =	simm.s32 $0x0;
	s7 =	sadd.s32 s6, s7;
	s13 =	ssub.s32 s9, s10  }
0xc: {  	s6 =	sshrl.u32 s6, $0x1;
	s0 =	sadd.s32 s11, s0;
	s9 =	sadd.s32 $0x10800, s12  }
0xd: {  	[smem:$0x7FF] =	sst s4;
	s7 =	sshrl.u32 s7, $0x4;
	s26 =	sadd.s32 s6, s3  }
.Ltmp0:
0xe: {  	s6 =	sadd.s32 s2, s0;
	s11 =	smax.u32 s13, $0x1;
	(pc) =	sbr.rel .LBB2_1-.Ltmp0, $4  }
0xf: {  	s13 =	simm.s32 $0x4;
	_ =	strace $0x8000004A;
	s8 =	sadd.s32 s5, s1  }
0x10: {  	s1 =	sadd.s32 s7, s1;
	s5 =	sshll.u32 s14, $0x6;
	s12 =	sshrl.u32 s26, $0x3  }
0x11: {  	s14 =	simm.s32 $0x2800;
	s26 =	simm.s32 $0x2900;
	s7 =	sor.u32 $0x1C01, s5  }
0x12: {  	s8 =	sadd.s32 $0x6800, s8;
	s10 =	sadd.s32 $0x15800, s1;
	s1 =	simm.s32 $0x0  }
.LBB2_4:
0x13: {  	_ =	swait.ge [sflag:s20], $0x1F40  }
0x14: {  	[sflag:s20] =	ssyncset.done $0x0  }
0x15: {  	[sflag:s20] =	ssyncadd.s32 $0xFFFFE0C0  }
0x16: {  	[spmem:s3] =	stream.indirect.scatter.add.bf16 [tilespmem:s25], [sflag:$0x3], $0x40, s21, s15, $0xb8;
	[tilespmem:$0x16940] =	vst v63  }
0x17: {  	_ =	swait.ge [sflag:s28], $0x1F40  }
0x18: {  	[sflag:s28] =	ssyncset.done $0x0  }
0x19: {  	[sflag:s28] =	ssyncadd.s32 $0xFFFFE0C0  }
0x1a: {  	_ =	swait.ge [sflag:s28], $0x1F40  }
0x1b: {  	[sflag:s28] =	ssyncset.done $0x0  }
0x1c: {  	[sflag:s28] =	ssyncadd.s32 $0xFFFFE0C0  }
0x1d: {  	_ =	swait.ge [sflag:s28], $0x1F40  }
0x1e: {  	s1 =	sadd.s32 $0x1, s1;
	[sflag:s28] =	ssyncset.done $0x0  }
0x1f: {  	p0 =	sne.s32 s1, s11;
	[sflag:s28] =	ssyncadd.s32 $0xFFFFE0C0  }
.Ltmp1:
0x20: {  	s0 =	sor.u32 $0x1C04, s5;
	[bflag:$0x0] =	sbarrier.arrive $0xFFFF;
	(pc) =	sbr.rel @!p0 .LBB2_5-.Ltmp1, $4  }
0x21: {  	[hbm:s10], [sflag:s0] =	dma.local [spmem:s12], $0x1388  }
0x22: {  	_ =	swait.ge [sflag:s13], $0x1388  }
0x23: {  	[sflag:s13] =	ssyncset.done $0x0  }
0x24: {  	[sflag:s13] =	ssyncadd.s32 $0xFFFFEC78  }
.LBB2_1:
0x25: {  	[spmem:s12], [sflag:s7] =	dma.local [hbm:s6], $0x1388  }
0x26: {  	[tilespmem:s4], [sflag:$0x4] =	stream.linear.gather [hbm4b:s8+s4], $0x2800, $0x38;
	[tilespmem:$0x16940] =	vst v63  }
0x27: {  	_ =	swait.ge [sflag:s13], $0x2800  }
0x28: {  	[sflag:s13] =	ssyncset.done $0x0  }
0x29: {  	[sflag:s13] =	ssyncadd.s32 $0xFFFFD800  }
0x2a: {  	[tilespmem:s14], [sflag:$0x4] =	stream.linear.gather [hbm4b:s9+s4], $0x2800, $0x38;
	[tilespmem:$0x16940] =	vst v63  }
0x2b: {  	_ =	swait.ge [sflag:s13], $0x2800  }
0x2c: {  	[sflag:s13] =	ssyncset.done $0x0  }
0x2d: {  	[sflag:s13] =	ssyncadd.s32 $0xFFFFD800  }
0x2e: {  	[tilespmem:s16], [sflag:$0x2] =	stream.indirect.gather [hbm4b:s2+s15], $0x40, s4, s15, $0xb8;
	[tilespmem:$0x16940] =	vst v63  }
0x2f: {  	s0 =	simm.s32 $0x80  }
0x30: {  	[tilespmem:s18], [sflag:$0x2] =	stream.indirect.gather [hbm4b:s2+s15], $0x40, s0, s15, $0xb8;
	[tilespmem:$0x16940] =	vst v63  }
0x31: {  	_ =	swait.ge [sflag:s19], $0x1388  }
0x32: {  	[sflag:s19] =	ssyncset.done $0x0  }
0x33: {  	[sflag:s19] =	ssyncadd.s32 $0xFFFFEC78  }
0x34: {  	[bflag:$0x0] =	sbarrier.arrive $0xFFFF  }
0x35: {  	_ =	swait.ge [sflag:s20], $0x1F40  }
0x36: {  	[sflag:s20] =	ssyncset.done $0x0  }
0x37: {  	[sflag:s20] =	ssyncadd.s32 $0xFFFFE0C0  }
0x38: {  	[spmem:s3] =	stream.indirect.scatter.add.bf16 [tilespmem:s16], [sflag:$0x3], $0x40, s14, s15, $0xb8;
	[tilespmem:$0x16940] =	vst v63  }
0x39: {  	s21 =	simm.s32 $0x100  }
0x3a: {  	[tilespmem:s22], [sflag:$0x2] =	stream.indirect.gather [hbm4b:s2+s15], $0x40, s21, s15, $0xb8;
	[tilespmem:$0x16940] =	vst v63  }
0x3b: {  	_ =	swait.ge [sflag:s20], $0x1F40  }
0x3c: {  	[sflag:s20] =	ssyncset.done $0x0  }
0x3d: {  	s23 =	simm.s32 $0x2880;
	[sflag:s20] =	ssyncadd.s32 $0xFFFFE0C0  }
0x3e: {  	[spmem:s3] =	stream.indirect.scatter.add.bf16 [tilespmem:s18], [sflag:$0x3], $0x40, s23, s15, $0xb8;
	[tilespmem:$0x16940] =	vst v63  }
0x3f: {  	_ = 	snop  }
0x40: {  	[tilespmem:s25], [sflag:$0x2] =	stream.indirect.gather [hbm4b:s2+s15], $0x40, s24, s15, $0xb8;
	[tilespmem:$0x16940] =	vst v63  }
0x41: {  	_ =	swait.ge [sflag:s20], $0x1F40  }
0x42: {  	[sflag:s20] =	ssyncset.done $0x0  }
0x43: {  	[sflag:s20] =	ssyncadd.s32 $0xFFFFE0C0  }
0x44: {  	[spmem:s3] =	stream.indirect.scatter.add.bf16 [tilespmem:s22], [sflag:$0x3], $0x40, s26, s15, $0xb8;
	[tilespmem:$0x16940] =	vst v63  }
0x45: {  	_ =	swait.ge [sflag:s28], $0x1F40  }
0x46: {  	[sflag:s28] =	ssyncset.done $0x0  }
0x47: {  	[sflag:s28] =	ssyncadd.s32 $0xFFFFE0C0  }
0x48: {  	[tilespmem:s16], [sflag:$0x2] =	stream.indirect.gather [hbm4b:s2+s15], $0x40, s29, s15, $0xb8;
	[tilespmem:$0x16940] =	vst v63  }
0x49: {  	_ =	swait.ge [sflag:s20], $0x1F40  }
0x4a: {  	[sflag:s20] =	ssyncset.done $0x0  }
0x4b: {  	[sflag:s20] =	ssyncadd.s32 $0xFFFFE0C0  }
0x4c: {  	[spmem:s3] =	stream.indirect.scatter.add.bf16 [tilespmem:s25], [sflag:$0x3], $0x40, s30, s15, $0xb8;
	[tilespmem:$0x16940] =	vst v63  }
0x4d: {  	_ =	swait.ge [sflag:s28], $0x1F40  }
0x4e: {  	[sflag:s28] =	ssyncset.done $0x0  }
0x4f: {  	s0 =	simm.s32 $0x0;
	[sflag:s28] =	ssyncadd.s32 $0xFFFFE0C0  }
0x50: {  	[tilespmem:s18], [sflag:$0x2] =	stream.indirect.gather [hbm4b:s2+s15], $0x40, s31, s15, $0xb8;
	[tilespmem:$0x16940] =	vst v63  }
.LBB2_2:
0x51: {  	_ =	swait.ge [sflag:s20], $0x1F40  }
0x52: {  	s17 =	sshra.s32 s0, $0x2;
	[sflag:s20] =	ssyncset.done $0x0  }
0x53: {  	s21 =	sadd.s32 $0x2A00, s17;
	[sflag:s20] =	ssyncadd.s32 $0xFFFFE0C0  }
0x54: {  	[spmem:s3] =	stream.indirect.scatter.add.bf16 [tilespmem:s16], [sflag:$0x3], $0x40, s21, s15, $0xb8;
	[tilespmem:$0x16940] =	vst v63  }
0x55: {  	_ =	swait.ge [sflag:s28], $0x1F40  }
0x56: {  	[sflag:s28] =	ssyncset.done $0x0  }
0x57: {  	s23 =	sadd.s32 $0x300, s17;
	[sflag:s28] =	ssyncadd.s32 $0xFFFFE0C0  }
0x58: {  	[tilespmem:s22], [sflag:$0x2] =	stream.indirect.gather [hbm4b:s2+s15], $0x40, s23, s15, $0xb8;
	[tilespmem:$0x16940] =	vst v63  }
0x59: {  	_ =	swait.ge [sflag:s20], $0x1F40  }
0x5a: {  	[sflag:s20] =	ssyncset.done $0x0  }
0x5b: {  	s23 =	sadd.s32 $0x2A80, s17;
	[sflag:s20] =	ssyncadd.s32 $0xFFFFE0C0  }
0x5c: {  	[spmem:s3] =	stream.indirect.scatter.add.bf16 [tilespmem:s18], [sflag:$0x3], $0x40, s23, s15, $0xb8;
	[tilespmem:$0x16940] =	vst v63  }
0x5d: {  	_ =	swait.ge [sflag:s28], $0x1F40  }
0x5e: {  	[sflag:s28] =	ssyncset.done $0x0  }
0x5f: {  	s23 =	sadd.s32 $0x380, s17;
	[sflag:s28] =	ssyncadd.s32 $0xFFFFE0C0  }
0x60: {  	[tilespmem:s25], [sflag:$0x2] =	stream.indirect.gather [hbm4b:s2+s15], $0x40, s23, s15, $0xb8;
	[tilespmem:$0x16940] =	vst v63  }
0x61: {  	_ =	swait.ge [sflag:s20], $0x1F40  }
0x62: {  	p0 =	seq.s32 s0, $0x9000;
	[sflag:s20] =	ssyncset.done $0x0  }
.Ltmp2:
0x63: {  	s23 =	sadd.s32 $0x2B00, s17;
	[sflag:s20] =	ssyncadd.s32 $0xFFFFE0C0;
	(pc) =	sbr.rel @p0 .LBB2_4-.Ltmp2, $4  }
0x64: {  	[spmem:s3] =	stream.indirect.scatter.add.bf16 [tilespmem:s22], [sflag:$0x3], $0x40, s23, s15, $0xb8;
	[tilespmem:$0x16940] =	vst v63  }
0x65: {  	_ =	swait.ge [sflag:s28], $0x1F40  }
0x66: {  	[sflag:s28] =	ssyncset.done $0x0  }
0x67: {  	s21 =	sadd.s32 $0x2B80, s17;
	[sflag:s28] =	ssyncadd.s32 $0xFFFFE0C0  }
0x68: {  	s23 =	sadd.s32 $0x400, s17  }
0x69: {  	[tilespmem:s16], [sflag:$0x2] =	stream.indirect.gather [hbm4b:s2+s15], $0x40, s23, s15, $0xb8;
	[tilespmem:$0x16940] =	vst v63  }
0x6a: {  	_ =	swait.ge [sflag:s20], $0x1F40  }
0x6b: {  	[sflag:s20] =	ssyncset.done $0x0  }
0x6c: {  	[sflag:s20] =	ssyncadd.s32 $0xFFFFE0C0  }
0x6d: {  	[spmem:s3] =	stream.indirect.scatter.add.bf16 [tilespmem:s25], [sflag:$0x3], $0x40, s21, s15, $0xb8;
	[tilespmem:$0x16940] =	vst v63  }
.Ltmp3:
0x6e: {  	_ = 	snop;
	(pc) =	sbr.rel .LBB2_2-.Ltmp3, $4  }
0x6f: {  	_ =	swait.ge [sflag:s28], $0x1F40  }
0x70: {  	[sflag:s28] =	ssyncset.done $0x0  }
0x71: {  	s0 =	sadd.s32 $0x800, s0;
	s23 =	sadd.s32 $0x480, s17;
	[sflag:s28] =	ssyncadd.s32 $0xFFFFE0C0  }
0x72: {  	[tilespmem:s18], [sflag:$0x2] =	stream.indirect.gather [hbm4b:s2+s15], $0x40, s23, s15, $0xb8;
	[tilespmem:$0x16940] =	vst v63  }
.LBB2_5:
0x73: {  	_ =	sfence.sel $0x180000  }
0x74: {  	[bflag:$0x0] =	sbarrier.arrive $0xFFFF  }
0x75: {  	_ =	strace $0x9000004A  }
0x76: {  	s0 =	stileid.u32;
	[bflag:$0x2] =	sbarrier.arrive $0xFFFF  }
0x77: {  	p0 =	sne.s32 s0, $0x0;
	s0 =	rddreg [dreg:$0x3]  }
0x78: {  	s0 =	sadd.s32 @!p0 $0x100000, s0  }
0x79: {  	[sflag:s0] =	ssyncadd.tile.s32 @!p0 $0x1;
	_ =	shalt  }
.Lfunc_end2:
_tile_overlayer_lowered:
.L_overlay_start_2:
0x7a: {  	(tag) =	ssettag $0x2  }
0x7b: {  	s0 =	rddreg [dreg:$0x0];
	s2 =	stileid.u32  }
0x7c: {  	s1 =	rddreg [dreg:$0x1];
	p0 =	sne.s32 s2, $0x0  }
0x7d: {  	s3 =	rddreg [dreg:$0x2];
	[bflag:$0x3] =	sbarrier.arrive $0xFFFF;
	s2 =	simm.s32 @!p0 $0x1C04  }
0x7e: {  	[timem:s3], [sflag:s2] =	dma.local @!p0 [hbm:s0], s1  }
0x7f: {  	s0 =	simm.s32 @!p0 $0x4  }
0x80: {  	_ =	swait.ge @!p0 [sflag:s0], s1  }
0x81: {  	s1 =	ssub.s32 @!p0 $0x0, s1;
	[sflag:s0] =	ssyncset.done @!p0 $0x0  }
0x82: {  	[sflag:s0] =	ssyncadd.s32 @!p0 s1  }
0x83: {  	[bflag:$0x3] =	sbarrier.arrive $0xFFFF  }
0x84: {  	_ =	shalt  }

</sc_bundles>
